<compile_context>
chip_gen: v7x
topology: tpu7x:2x2x1
jax: 0.10.2.dev20260603
libtpu: 0.0.44.dev20260713+nightly
codegen_flags: <defaults>
</compile_context>

<pallas_src>
import numpy as np
import jax
import jax.numpy as jnp
from jax.experimental import pallas as pl

NQ = 16384
NP = 8192
QB = 1024
CK = 256
NCK = NP // CK
KSEL = 32.0

_HI = jax.lax.Precision.HIGHEST


def _xyz_perm():
    q0, d0, s0, v0 = 0, 63, 72, 135
    perm = [q0, q0 + 1, q0 + 2, s0, s0 + 1, s0 + 2, v0, v0 + 1, v0 + 2, d0]
    sin_rows, cos_rows = [], []
    for f in range(10):
        sin_rows += [q0 + 3 + 6 * f + c for c in range(3)]
        sin_rows += [s0 + 3 + 6 * f + c for c in range(3)]
        sin_rows += [v0 + 3 + 6 * f + c for c in range(3)]
        cos_rows += [q0 + 6 + 6 * f + c for c in range(3)]
        cos_rows += [s0 + 6 + 6 * f + c for c in range(3)]
        cos_rows += [v0 + 6 + 6 * f + c for c in range(3)]
        if f < 4:
            sin_rows.append(d0 + 1 + 2 * f)
            cos_rows.append(d0 + 2 + 2 * f)
    return np.asarray(perm + sin_rows + cos_rows, np.int32)


def _dir_perm():
    r0, s0 = 0, 27
    perm = [r0, r0 + 1, r0 + 2, s0, s0 + 1, s0 + 2]
    sin_rows, cos_rows = [], []
    for f in range(4):
        sin_rows += [r0 + 3 + 6 * f + c for c in range(3)]
        sin_rows += [s0 + 3 + 6 * f + c for c in range(3)]
        cos_rows += [r0 + 6 + 6 * f + c for c in range(3)]
        cos_rows += [s0 + 6 + 6 * f + c for c in range(3)]
    return np.asarray(perm + sin_rows + cos_rows, np.int32)


_XYZ_PERM = _xyz_perm()
_DIR_PERM = _dir_perm()


def _shift_right(x, sh):
    z = jnp.zeros((x.shape[0], sh), x.dtype)
    return jnp.concatenate([z, x[:, :-sh]], axis=1)


def _fused(q_ref, rays_ref, pt_ref, tri_ref, mh_ref, ml_ref,
           ml2_ref, ro_ref,
           w0_ref, b0_ref, w1_ref, b1_ref, w2_ref, b2_ref, w3_ref, b3_ref,
           w4a_ref, w4b_ref, b4_ref, w5_ref, b5_ref, w6_ref, b6_ref,
           w7_ref, b7_ref, wf_ref, bf_ref, wdh_ref, wdd_ref, bd_ref,
           wrgb_ref, brgb_ref, out_ref):
    q = q_ref[...]
    qx = q[:, 0:1]
    qy = q[:, 1:2]
    qz = q[:, 2:3]

    tri = tri_ref[...]

    def chunk_body(c, carry):
        count, s_a, s_b, zcnt = carry
        done = jnp.min(count) >= KSEL
        return jax.lax.cond(done, lambda: carry, lambda: chunk_work(c, carry))

    def chunk_work(c, carry):
        count, s_a, s_b, zcnt = carry
        off = c * CK
        px = pt_ref[0:1, pl.ds(off, CK)]
        py = pt_ref[1:2, pl.ds(off, CK)]
        pz = pt_ref[2:3, pl.ds(off, CK)]
        dx = qx - px
        dy = qy - py
        dz = qz - pz
        d2 = (dx * dx + dy * dy) + dz * dz
        m = d2 < 1.0
        m_b = m.astype(jnp.bfloat16)
        cs = jnp.dot(m_b, tri, preferred_element_type=jnp.float32)
        keep = count + cs <= KSEL
        sel = (m & keep).astype(jnp.float32)
        w = sel * (1.0 - d2 * jnp.sqrt(d2))
        sel_b = sel.astype(jnp.bfloat16)
        mh = mh_ref[pl.ds(off, CK), :]
        ml = ml_ref[pl.ds(off, CK), :]
        ml2 = ml2_ref[pl.ds(off, CK), :]
        s_a = s_a + (jnp.dot(sel_b, mh, preferred_element_type=jnp.float32)
                     + jnp.dot(sel_b, ml, preferred_element_type=jnp.float32)
                     + jnp.dot(sel_b, ml2, preferred_element_type=jnp.float32))
        w1 = w.astype(jnp.bfloat16)
        r1 = w - w1.astype(jnp.float32)
        w2 = r1.astype(jnp.bfloat16)
        w3 = (r1 - w2.astype(jnp.float32)).astype(jnp.bfloat16)
        s_b = s_b + (jnp.dot(w1, mh, preferred_element_type=jnp.float32)
                     + jnp.dot(w2, mh, preferred_element_type=jnp.float32)
                     + jnp.dot(w3, mh, preferred_element_type=jnp.float32)
                     + jnp.dot(w1, ml, preferred_element_type=jnp.float32)
                     + jnp.dot(w2, ml, preferred_element_type=jnp.float32)
                     + jnp.dot(w1, ml2, preferred_element_type=jnp.float32))
        zsel_b = (sel * (d2 == 0.0)).astype(jnp.bfloat16)
        zcnt = zcnt + jnp.dot(zsel_b, mh,
                              preferred_element_type=jnp.float32)[:, 6:7]
        count = count + cs[:, CK - 1:CK]
        return count, s_a, s_b, zcnt

    count, s_a, s_b, zcnt = jax.lax.fori_loop(
        0, NCK, chunk_body,
        (jnp.zeros((QB, 1), jnp.float32),
         jnp.zeros((QB, 8), jnp.float32),
         jnp.zeros((QB, 8), jnp.float32),
         jnp.zeros((QB, 1), jnp.float32)))

    n = s_a[:, 6:7]
    s_p = s_a[:, 0:3]
    s_p2 = s_a[:, 3:6]
    s_w = s_b[:, 6:7]
    s_wp3 = s_b[:, 0:3]

    den = s_w
    spos = s_wp3 / (s_w + 1e-12)
    s_d = s_p - n * q
    mean = s_d / (n + 1e-12)
    s_d2 = s_p2 - 2.0 * q * s_p + n * (q * q)
    var = (s_d2 - 2.0 * mean * s_d + n * (mean * mean)) / (n + 1e-12)
    ro = ro_ref[...]
    dirs = spos - ro
    dnorm = jnp.sqrt(jnp.sum(dirs * dirs, axis=1, keepdims=True))
    sdir = dirs / dnorm

    p10 = jnp.concatenate([q, spos, var, den], axis=1)
    p9 = p10[:, 0:9]
    scaled = jnp.concatenate(
        [p10 * (2.0 ** f) for f in range(4)]
        + [p9 * (2.0 ** f) for f in range(4, 10)], axis=1)
    fx = jnp.concatenate([p10, jnp.sin(scaled), jnp.cos(scaled)], axis=1)

    rq = rays_ref[...]
    d6 = jnp.concatenate([rq, sdir], axis=1)
    scaled_d = jnp.concatenate([d6 * (2.0 ** f) for f in range(4)], axis=1)
    fd = jnp.concatenate([d6, jnp.sin(scaled_d), jnp.cos(scaled_d)], axis=1)

    def mm(x, w):
        xh = x.astype(jnp.bfloat16)
        xl = (x - xh.astype(jnp.float32)).astype(jnp.bfloat16)
        wh = w.astype(jnp.bfloat16)
        wl = (w - wh.astype(jnp.float32)).astype(jnp.bfloat16)
        return (jnp.dot(xh, wh, preferred_element_type=jnp.float32)
                + jnp.dot(xl, wh, preferred_element_type=jnp.float32)
                + jnp.dot(xh, wl, preferred_element_type=jnp.float32))

    def lin(x, w_ref, b_ref):
        return mm(x, w_ref[...]) + b_ref[...]

    h = jnp.maximum(lin(fx, w0_ref, b0_ref), 0.0)
    h = jnp.maximum(lin(h, w1_ref, b1_ref), 0.0)
    h = jnp.maximum(lin(h, w2_ref, b2_ref), 0.0)
    h = jnp.maximum(lin(h, w3_ref, b3_ref), 0.0)
    h = jnp.maximum(lin(fx, w4a_ref, b4_ref) + mm(h, w4b_ref[...]), 0.0)
    h = jnp.maximum(lin(h, w5_ref, b5_ref), 0.0)
    h = jnp.maximum(lin(h, w6_ref, b6_ref), 0.0)
    h = jnp.maximum(lin(h, w7_ref, b7_ref), 0.0)
    hf = lin(h, wf_ref, bf_ref)
    dfeed = jnp.maximum(lin(hf, wdh_ref, bd_ref) + mm(fd, wdd_ref[...]), 0.0)
    rgb = jax.nn.sigmoid(lin(dfeed, wrgb_ref, brgb_ref))

    mask = ((count >= KSEL) & (zcnt == 0.0)).astype(jnp.float32)
    out_ref[...] = rgb * mask


def kernel(ray_particles_0, physical_particles, ro, rays, params):
    q0 = ray_particles_0.reshape(-1, 3)
    n_samples = ray_particles_0.shape[1]
    rays_q0 = jnp.repeat(rays, n_samples, axis=0)
    order = jnp.argsort(jnp.sum(q0 * q0, axis=1))
    inv_order = jnp.argsort(order)
    q = jnp.take(q0, order, axis=0)
    rays_q = jnp.take(rays_q0, order, axis=0)
    pt = physical_particles.T
    pp = physical_particles
    mom = jnp.concatenate(
        [pp, pp * pp, jnp.ones((NP, 1), jnp.float32),
         jnp.zeros((NP, 1), jnp.float32)], axis=1)
    mom_hi = mom.astype(jnp.bfloat16)
    mom_lo = (mom - mom_hi.astype(jnp.float32)).astype(jnp.bfloat16)
    mom_lo2 = (mom - mom_hi.astype(jnp.float32)
               - mom_lo.astype(jnp.float32)).astype(jnp.bfloat16)
    tri = jnp.asarray(np.triu(np.ones((CK, CK), np.float32)), jnp.bfloat16)
    ro2 = ro.reshape(1, 3)

    w0 = params['xyz_0_w'][_XYZ_PERM]
    w4 = params['xyz_4_w']
    w4a = w4[:198][_XYZ_PERM]
    w4b = w4[198:]
    wd = params['dir_w']
    wdh = wd[:256]
    wdd = wd[256:][_DIR_PERM]

    def b2d(b):
        return b.reshape(1, -1)

    weights = [
        w0, b2d(params['xyz_0_b']),
        params['xyz_1_w'], b2d(params['xyz_1_b']),
        params['xyz_2_w'], b2d(params['xyz_2_b']),
        params['xyz_3_w'], b2d(params['xyz_3_b']),
        w4a, w4b, b2d(params['xyz_4_b']),
        params['xyz_5_w'], b2d(params['xyz_5_b']),
        params['xyz_6_w'], b2d(params['xyz_6_b']),
        params['xyz_7_w'], b2d(params['xyz_7_b']),
        params['final_w'], b2d(params['final_b']),
        wdh, wdd, b2d(params['dir_b']),
        params['rgb_w'], b2d(params['rgb_b']),
    ]

    def const_spec(a):
        return pl.BlockSpec(a.shape, lambda i: (0,) * a.ndim)

    grid = (NQ // QB,)
    out = pl.pallas_call(
        _fused,
        grid=grid,
        in_specs=[
            pl.BlockSpec((QB, 3), lambda i: (i, 0)),
            pl.BlockSpec((QB, 3), lambda i: (i, 0)),
            const_spec(pt),
            const_spec(tri),
            const_spec(mom_hi),
            const_spec(mom_lo),
            const_spec(mom_lo2),
            const_spec(ro2),
        ] + [const_spec(a) for a in weights],
        out_specs=pl.BlockSpec((QB, 3), lambda i: (i, 0)),
        out_shape=jax.ShapeDtypeStruct((NQ, 3), jnp.float32),
    )(q, rays_q, pt, tri, mom_hi, mom_lo, mom_lo2, ro2, *weights)
    return jnp.take(out, inv_order, axis=0)

# --- scband reference (transcript-rebuilt; emitter-appended) ---
"""Pipeline reference for scband-render-net-71159018160131 (READ-ONLY COPY).

The authoritative reference and input builder live on the scoring server;
editing this copy changes nothing except your own understanding.
"""

import jax, jax.numpy as jnp
import numpy as np

RADIUS = 1.0
K = 32
N_FREQ_XYZ = 10
N_FREQ_DIR = 4
N_FREQ_DEN = 4
CHUNK = 2048
IN_XYZ = 63 + 9 + 63 + 63  # hit_pos + density + smoothed_pos + variance embeddings
IN_DIR = 27 + 27           # hit_dir + smoothed_dir embeddings
W_HID = 256


def embed(x, n_freqs):
    # nerf_pl Embedding: out = [x, sin(2^0 x), cos(2^0 x), ..., sin(2^{L-1} x), cos(2^{L-1} x)]
    out = [x]
    for i in range(n_freqs):
        f = 2.0 ** i
        out.append(jnp.sin(f * x))
        out.append(jnp.cos(f * x))
    return jnp.concatenate(out, axis=-1)


def ball_query(q, particles, radius, k):
    # pytorch3d-style ball_query: first k points (by index) within radius.
    # returns squared dists (0-padded), indices (0 for pad), neighbor xyz (0-padded).
    Np = particles.shape[0]
    neg_idx = -jnp.arange(Np, dtype=jnp.float32)

    def chunk_fn(qc):
        d2 = jnp.sum((qc[:, None, :] - particles[None, :, :]) ** 2, axis=-1)
        in_r = d2 < radius ** 2
        key = jnp.where(in_r, neg_idx[None, :], -jnp.inf)
        vals, _ = jax.lax.top_k(key, k)
        valid = jnp.isfinite(vals)
        idx = jnp.where(valid, (-vals).astype(jnp.int32), 0)
        dk = jnp.take_along_axis(d2, idx, axis=1)
        dk = jnp.where(valid, dk, 0.0)
        nb = jnp.where(valid[..., None], particles[idx], 0.0)
        return dk, idx, nb

    Nq = q.shape[0]
    qr = q.reshape(Nq // CHUNK, CHUNK, 3)
    dists, idx, nbrs = jax.lax.map(chunk_fn, qr)
    return dists.reshape(Nq, k), idx.reshape(Nq, k), nbrs.reshape(Nq, k, 3)


def _linear(p, name, x):
    return x @ p[name + '_w'] + p[name + '_b']


def nerf_forward(p, feats):
    # nerf_pl NeRF: D=8, W=256, skips=[4]
    xyz = feats[:, :IN_XYZ]
    dirv = feats[:, IN_XYZ:]
    h = xyz
    for i in range(8):
        if i == 4:
            h = jnp.concatenate([xyz, h], axis=-1)
        h = jax.nn.relu(_linear(p, 'xyz_%d' % i, h))
    sigma = _linear(p, 'sigma', h)
    hf = _linear(p, 'final', h)
    d = jax.nn.relu(_linear(p, 'dir', jnp.concatenate([hf, dirv], axis=-1)))
    rgb = jax.nn.sigmoid(_linear(p, 'rgb', d))
    return jnp.concatenate([rgb, sigma], axis=-1)


def render_forward(params, ray_particles_0, physical_particles, ro, rays):
    N_rays, N_samples, _ = ray_particles_0.shape
    q = ray_particles_0.reshape(-1, 3)
    dists, idx, neighbors = ball_query(q, physical_particles, RADIUS, K)
    nn_mask = dists != 0
    num_nn = nn_mask.sum(-1, keepdims=True).astype(jnp.float32)
    # pos-like feats
    hit_pos_emb = embed(q, N_FREQ_XYZ)
    hit_dir_emb = embed(rays, N_FREQ_DIR)
    hit_dir_emb = jnp.repeat(hit_dir_emb, N_samples, axis=0)
    # smoothing_position (exclude_ray=True)
    d = jnp.linalg.norm(neighbors - q[:, None, :], axis=-1)
    w = jnp.maximum(1.0 - (d / RADIUS) ** 3, 0.0)
    weighted_nn = (w[..., None] * neighbors).sum(-2) / (w.sum(-1, keepdims=True) + 1e-12)
    smoothed_pos = weighted_nn
    density = w.sum(-1, keepdims=True)
    # smoothed direction from camera origin
    dirs = smoothed_pos - ro.reshape(1, 3)
    smoothed_dir = dirs / jnp.linalg.norm(dirs, axis=-1, keepdims=True)
    density_emb = embed(density, N_FREQ_DEN)
    smoothed_pos_emb = embed(smoothed_pos, N_FREQ_XYZ)
    # variance encoding
    diff = jnp.where(nn_mask[..., None], neighbors - q[:, None, :], 0.0)
    mean = diff.sum(-2) / (num_nn + 1e-12)
    var = jnp.where(nn_mask[..., None], (diff - mean[:, None, :]) ** 2, 0.0)
    var = var.sum(-2) / (num_nn + 1e-12)
    var_emb = embed(var, N_FREQ_XYZ)
    smoothed_dir_emb = embed(smoothed_dir, N_FREQ_DIR)
    feats = jnp.concatenate([hit_pos_emb, density_emb, smoothed_pos_emb, var_emb,
                             hit_dir_emb, smoothed_dir_emb], axis=1)
    rgbsigma = nerf_forward(params, feats)
    mask = jnp.all(dists != 0, axis=-1, keepdims=True).astype(jnp.float32)
    rgbsigma = (rgbsigma * mask).reshape(-1, N_samples, 4)
    return rgbsigma[..., :3].reshape(-1, 3)


def _init_linear(key, fan_in, fan_out):
    k1, k2 = jax.random.split(key)
    w = jax.random.normal(k1, (fan_in, fan_out), jnp.float32) / np.sqrt(fan_in)
    b = jax.random.normal(k2, (fan_out,), jnp.float32) * 0.01
    return w, b


def setup_inputs(seed: int = 0):
    key = jax.random.key(seed)
    ks = jax.random.split(key, 4)
    params = {}
    dims = [(IN_XYZ, W_HID)] + [(W_HID, W_HID)] * 3 + [(IN_XYZ + W_HID, W_HID)] + [(W_HID, W_HID)] * 3
    for i, (fi, fo) in enumerate(dims):
        w, b = _init_linear(jax.random.fold_in(key, i), fi, fo)
        params['xyz_%d_w' % i] = w
        params['xyz_%d_b' % i] = b
    for j, (name, fi, fo) in enumerate([('sigma', W_HID, 1), ('final', W_HID, W_HID),
                                        ('dir', W_HID + IN_DIR, W_HID // 2), ('rgb', W_HID // 2, 3)]):
        w, b = _init_linear(jax.random.fold_in(key, 100 + j), fi, fo)
        params[name + '_w'] = w
        params[name + '_b'] = b
    return {
        'ray_particles_0': jax.random.normal(ks[0], (1024, 16, 3), jnp.float32),
        'physical_particles': jax.random.normal(ks[1], (8192, 3), jnp.float32),
        'ro': jax.random.normal(ks[2], (3,), jnp.float32),
        'rays': jax.random.normal(ks[3], (1024, 3), jnp.float32),
        'params': params,
    }


def reference(ray_particles_0, physical_particles, ro, rays, params):
    return render_forward(params, ray_particles_0, physical_particles, ro, rays)

if __name__ == "__main__":
    import jax
    _d = setup_inputs()
    print(jax.jit(kernel)(*tuple(_d.values())))

</pallas_src>

<mosaic_0001>
module attributes {stable_mosaic.version = 14 : i64} {
  func.func @_fused(%arg0: i32, %arg1: memref<1024x3xf32, #tpu.memory_space<vmem>>, %arg2: memref<1024x3xf32, #tpu.memory_space<vmem>>, %arg3: memref<3x8192xf32, #tpu.memory_space<vmem>>, %arg4: memref<256x256xbf16, #tpu.memory_space<vmem>>, %arg5: memref<8192x8xbf16, #tpu.memory_space<vmem>>, %arg6: memref<8192x8xbf16, #tpu.memory_space<vmem>>, %arg7: memref<8192x8xbf16, #tpu.memory_space<vmem>>, %arg8: memref<1x3xf32, #tpu.memory_space<vmem>>, %arg9: memref<198x256xf32, #tpu.memory_space<vmem>>, %arg10: memref<1x256xf32, #tpu.memory_space<vmem>>, %arg11: memref<256x256xf32, #tpu.memory_space<vmem>>, %arg12: memref<1x256xf32, #tpu.memory_space<vmem>>, %arg13: memref<256x256xf32, #tpu.memory_space<vmem>>, %arg14: memref<1x256xf32, #tpu.memory_space<vmem>>, %arg15: memref<256x256xf32, #tpu.memory_space<vmem>>, %arg16: memref<1x256xf32, #tpu.memory_space<vmem>>, %arg17: memref<198x256xf32, #tpu.memory_space<vmem>>, %arg18: memref<256x256xf32, #tpu.memory_space<vmem>>, %arg19: memref<1x256xf32, #tpu.memory_space<vmem>>, %arg20: memref<256x256xf32, #tpu.memory_space<vmem>>, %arg21: memref<1x256xf32, #tpu.memory_space<vmem>>, %arg22: memref<256x256xf32, #tpu.memory_space<vmem>>, %arg23: memref<1x256xf32, #tpu.memory_space<vmem>>, %arg24: memref<256x256xf32, #tpu.memory_space<vmem>>, %arg25: memref<1x256xf32, #tpu.memory_space<vmem>>, %arg26: memref<256x256xf32, #tpu.memory_space<vmem>>, %arg27: memref<1x256xf32, #tpu.memory_space<vmem>>, %arg28: memref<256x128xf32, #tpu.memory_space<vmem>>, %arg29: memref<54x128xf32, #tpu.memory_space<vmem>>, %arg30: memref<1x128xf32, #tpu.memory_space<vmem>>, %arg31: memref<128x3xf32, #tpu.memory_space<vmem>>, %arg32: memref<1x3xf32, #tpu.memory_space<vmem>>, %arg33: memref<1024x3xf32, #tpu.memory_space<vmem>>) attributes {dimension_semantics = [#tpu.dimension_semantics<arbitrary>], iteration_bounds = array<i64: 16>, scalar_prefetch = 0 : i64, scratch_operands = 0 : i64, tpu.core_type = #tpu.core_type<tc>, window_params = [{transform_indices = @transform_0, window_bounds = array<i64: 1024, 3>}, {transform_indices = @transform_1, window_bounds = array<i64: 1024, 3>}, {pipeline_mode = #tpu.pipeline_mode<synchronous>, transform_indices = @transform_2, window_bounds = array<i64: 3, 8192>}, {pipeline_mode = #tpu.pipeline_mode<synchronous>, transform_indices = @transform_3, window_bounds = array<i64: 256, 256>}, {pipeline_mode = #tpu.pipeline_mode<synchronous>, transform_indices = @transform_4, window_bounds = array<i64: 8192, 8>}, {pipeline_mode = #tpu.pipeline_mode<synchronous>, transform_indices = @transform_5, window_bounds = array<i64: 8192, 8>}, {pipeline_mode = #tpu.pipeline_mode<synchronous>, transform_indices = @transform_6, window_bounds = array<i64: 8192, 8>}, {pipeline_mode = #tpu.pipeline_mode<synchronous>, transform_indices = @transform_7, window_bounds = array<i64: 1, 3>}, {pipeline_mode = #tpu.pipeline_mode<synchronous>, transform_indices = @transform_8, window_bounds = array<i64: 198, 256>}, {pipeline_mode = #tpu.pipeline_mode<synchronous>, transform_indices = @transform_9, window_bounds = array<i64: 1, 256>}, {pipeline_mode = #tpu.pipeline_mode<synchronous>, transform_indices = @transform_10, window_bounds = array<i64: 256, 256>}, {pipeline_mode = #tpu.pipeline_mode<synchronous>, transform_indices = @transform_11, window_bounds = array<i64: 1, 256>}, {pipeline_mode = #tpu.pipeline_mode<synchronous>, transform_indices = @transform_12, window_bounds = array<i64: 256, 256>}, {pipeline_mode = #tpu.pipeline_mode<synchronous>, transform_indices = @transform_13, window_bounds = array<i64: 1, 256>}, {pipeline_mode = #tpu.pipeline_mode<synchronous>, transform_indices = @transform_14, window_bounds = array<i64: 256, 256>}, {pipeline_mode = #tpu.pipeline_mode<synchronous>, transform_indices = @transform_15, window_bounds = array<i64: 1, 256>}, {pipeline_mode = #tpu.pipeline_mode<synchronous>, transform_indices = @transform_16, window_bounds = array<i64: 198, 256>}, {pipeline_mode = #tpu.pipeline_mode<synchronous>, transform_indices = @transform_17, window_bounds = array<i64: 256, 256>}, {pipeline_mode = #tpu.pipeline_mode<synchronous>, transform_indices = @transform_18, window_bounds = array<i64: 1, 256>}, {pipeline_mode = #tpu.pipeline_mode<synchronous>, transform_indices = @transform_19, window_bounds = array<i64: 256, 256>}, {pipeline_mode = #tpu.pipeline_mode<synchronous>, transform_indices = @transform_20, window_bounds = array<i64: 1, 256>}, {pipeline_mode = #tpu.pipeline_mode<synchronous>, transform_indices = @transform_21, window_bounds = array<i64: 256, 256>}, {pipeline_mode = #tpu.pipeline_mode<synchronous>, transform_indices = @transform_22, window_bounds = array<i64: 1, 256>}, {pipeline_mode = #tpu.pipeline_mode<synchronous>, transform_indices = @transform_23, window_bounds = array<i64: 256, 256>}, {pipeline_mode = #tpu.pipeline_mode<synchronous>, transform_indices = @transform_24, window_bounds = array<i64: 1, 256>}, {pipeline_mode = #tpu.pipeline_mode<synchronous>, transform_indices = @transform_25, window_bounds = array<i64: 256, 256>}, {pipeline_mode = #tpu.pipeline_mode<synchronous>, transform_indices = @transform_26, window_bounds = array<i64: 1, 256>}, {pipeline_mode = #tpu.pipeline_mode<synchronous>, transform_indices = @transform_27, window_bounds = array<i64: 256, 128>}, {pipeline_mode = #tpu.pipeline_mode<synchronous>, transform_indices = @transform_28, window_bounds = array<i64: 54, 128>}, {pipeline_mode = #tpu.pipeline_mode<synchronous>, transform_indices = @transform_29, window_bounds = array<i64: 1, 128>}, {pipeline_mode = #tpu.pipeline_mode<synchronous>, transform_indices = @transform_30, window_bounds = array<i64: 128, 3>}, {pipeline_mode = #tpu.pipeline_mode<synchronous>, transform_indices = @transform_31, window_bounds = array<i64: 1, 3>}, {transform_indices = @transform_32, window_bounds = array<i64: 1024, 3>}]} {
    %get3A = arith.constant 0 : index
    %get3A_0 = arith.constant 0 : index
    %get3A_1 = vector.load %arg1[%get3A, %get3A_0] : memref<1024x3xf32, #tpu.memory_space<vmem>>, vector<1024x3xf32>
    %slice3A = vector.extract_strided_slice %get3A_1 {offsets = [0, 0], sizes = [1024, 1], strides = [1, 1]} : vector<1024x3xf32> to vector<1024x1xf32>
    %slice3A_2 = vector.extract_strided_slice %get3A_1 {offsets = [0, 1], sizes = [1024, 1], strides = [1, 1]} : vector<1024x3xf32> to vector<1024x1xf32>
    %slice3A_3 = vector.extract_strided_slice %get3A_1 {offsets = [0, 2], sizes = [1024, 1], strides = [1, 1]} : vector<1024x3xf32> to vector<1024x1xf32>
    %get3A_4 = arith.constant 0 : index
    %get3A_5 = arith.constant 0 : index
    %get3A_6 = vector.load %arg4[%get3A_4, %get3A_5] : memref<256x256xbf16, #tpu.memory_space<vmem>>, vector<256x256xbf16>
    %broadcast_in_dim3A = arith.constant 0.000000e+00 : f32
    %broadcast_in_dim3A_7 = vector.broadcast %broadcast_in_dim3A : f32 to vector<1024x1xf32>
    %broadcast_in_dim3A_8 = arith.constant 0.000000e+00 : f32
    %broadcast_in_dim3A_9 = vector.broadcast %broadcast_in_dim3A_8 : f32 to vector<1024x8xf32>
    %broadcast_in_dim3A_10 = arith.constant 0.000000e+00 : f32
    %broadcast_in_dim3A_11 = vector.broadcast %broadcast_in_dim3A_10 : f32 to vector<1024x8xf32>
    %broadcast_in_dim3A_12 = arith.constant 0.000000e+00 : f32
    %broadcast_in_dim3A_13 = vector.broadcast %broadcast_in_dim3A_12 : f32 to vector<1024x1xf32>
    %scan3A = arith.constant 0 : i32
    %scan3A_14 = arith.constant 32 : i32
    %scan3A_15 = arith.addi %scan3A, %scan3A_14 : i32
    %scan3A_16 = arith.constant 1 : i32
    %scan3A_17:4 = scf.for %scan3A_462 = %scan3A to %scan3A_15 step %scan3A_16 iter_args(%scan3A_463 = %broadcast_in_dim3A_7, %scan3A_464 = %broadcast_in_dim3A_9, %scan3A_465 = %broadcast_in_dim3A_11, %scan3A_466 = %broadcast_in_dim3A_13) -> (vector<1024x1xf32>, vector<1024x8xf32>, vector<1024x8xf32>, vector<1024x1xf32>)  : i32 {
      %reduce_min3A = vector.shape_cast %scan3A_463 : vector<1024x1xf32> to vector<1x1024x1xf32>
      %reduce_min3A_467 = arith.constant dense<0x7F800000> : vector<1xf32>
      %reduce_min3A_468 = vector.multi_reduction <minimumf>, %reduce_min3A, %reduce_min3A_467 [1, 2] : vector<1x1024x1xf32> to vector<1xf32>
      %reduce_min3A_469 = vector.shape_cast %reduce_min3A_468 : vector<1xf32> to vector<1x1x1xf32>
      %reduce_min3A_470 = vector.extract %reduce_min3A_469[0, 0, 0] : f32 from vector<1x1x1xf32>
      %ge3A_471 = arith.constant 3.200000e+01 : f32
      %ge3A_472 = arith.cmpf oge, %reduce_min3A_470, %ge3A_471 : f32
      %convert_element_type3A_473 = arith.extui %ge3A_472 : i1 to i32
      %cond3A = arith.constant 0 : i32
      %cond3A_474 = arith.cmpi ne, %convert_element_type3A_473, %cond3A : i32
      %cond3A_475:4 = scf.if %cond3A_474 -> (vector<1024x1xf32>, vector<1024x8xf32>, vector<1024x8xf32>, vector<1024x1xf32>) {
        scf.yield %scan3A_463, %scan3A_464, %scan3A_465, %scan3A_466 : vector<1024x1xf32>, vector<1024x8xf32>, vector<1024x8xf32>, vector<1024x1xf32>
      } else {
        %mul3A_476 = arith.constant 256 : i32
        %mul3A_477 = arith.muli %scan3A_462, %mul3A_476 : i32
        %get3A_478 = arith.constant 0 : index
        %get3A_479 = arith.index_cast %mul3A_477 : i32 to index
        %get3A_480 = vector.load %arg3[%get3A_478, %get3A_479] : memref<3x8192xf32, #tpu.memory_space<vmem>>, vector<1x256xf32>
        %get3A_481 = arith.constant 1 : index
        %get3A_482 = arith.index_cast %mul3A_477 : i32 to index
        %get3A_483 = vector.load %arg3[%get3A_481, %get3A_482] : memref<3x8192xf32, #tpu.memory_space<vmem>>, vector<1x256xf32>
        %get3A_484 = arith.constant 2 : index
        %get3A_485 = arith.index_cast %mul3A_477 : i32 to index
        %get3A_486 = vector.load %arg3[%get3A_484, %get3A_485] : memref<3x8192xf32, #tpu.memory_space<vmem>>, vector<1x256xf32>
        %sub3A_487 = vector.broadcast %slice3A : vector<1024x1xf32> to vector<1024x256xf32>
        %sub3A_488 = vector.broadcast %get3A_480 : vector<1x256xf32> to vector<1024x256xf32>
        %sub3A_489 = arith.subf %sub3A_487, %sub3A_488 : vector<1024x256xf32>
        %sub3A_490 = vector.broadcast %slice3A_2 : vector<1024x1xf32> to vector<1024x256xf32>
        %sub3A_491 = vector.broadcast %get3A_483 : vector<1x256xf32> to vector<1024x256xf32>
        %sub3A_492 = arith.subf %sub3A_490, %sub3A_491 : vector<1024x256xf32>
        %sub3A_493 = vector.broadcast %slice3A_3 : vector<1024x1xf32> to vector<1024x256xf32>
        %sub3A_494 = vector.broadcast %get3A_486 : vector<1x256xf32> to vector<1024x256xf32>
        %sub3A_495 = arith.subf %sub3A_493, %sub3A_494 : vector<1024x256xf32>
        %mul3A_496 = arith.mulf %sub3A_489, %sub3A_489 : vector<1024x256xf32>
        %mul3A_497 = arith.mulf %sub3A_492, %sub3A_492 : vector<1024x256xf32>
        %add3A_498 = arith.addf %mul3A_496, %mul3A_497 : vector<1024x256xf32>
        %mul3A_499 = arith.mulf %sub3A_495, %sub3A_495 : vector<1024x256xf32>
        %add3A_500 = arith.addf %add3A_498, %mul3A_499 : vector<1024x256xf32>
        %lt3A = arith.constant 1.000000e+00 : f32
        %lt3A_501 = vector.broadcast %lt3A : f32 to vector<1024x256xf32>
        %lt3A_502 = arith.cmpf olt, %add3A_500, %lt3A_501 : vector<1024x256xf32>
        %convert_element_type3A_503 = arith.extui %lt3A_502 : vector<1024x256xi1> to vector<1024x256xi32>
        %convert_element_type3A_504 = arith.sitofp %convert_element_type3A_503 : vector<1024x256xi32> to vector<1024x256xf32>
        %convert_element_type3A_505 = arith.truncf %convert_element_type3A_504 : vector<1024x256xf32> to vector<1024x256xbf16>
        %dot_general3A_506 = arith.constant dense<0.000000e+00> : vector<1024x256xf32>
        %dot_general3A_507 = tpu.matmul %convert_element_type3A_505, %get3A_6, %dot_general3A_506 {dimension_numbers = #tpu.dot_dimension_numbers<[1], [0], [0], [1], [0, 0, 1, 1], [], []>, transpose_lhs_hint = false} : vector<1024x256xbf16>, vector<256x256xbf16>, vector<1024x256xf32> -> vector<1024x256xf32>
        %add3A_508 = vector.broadcast %scan3A_463 : vector<1024x1xf32> to vector<1024x256xf32>
        %add3A_509 = arith.addf %add3A_508, %dot_general3A_507 : vector<1024x256xf32>
        %le3A = arith.constant 3.200000e+01 : f32
        %le3A_510 = vector.broadcast %le3A : f32 to vector<1024x256xf32>
        %le3A_511 = arith.cmpf ole, %add3A_509, %le3A_510 : vector<1024x256xf32>
        %and3A_512 = arith.andi %lt3A_502, %le3A_511 : vector<1024x256xi1>
        %convert_element_type3A_513 = arith.extui %and3A_512 : vector<1024x256xi1> to vector<1024x256xi32>
        %convert_element_type3A_514 = arith.sitofp %convert_element_type3A_513 : vector<1024x256xi32> to vector<1024x256xf32>
        %sqrt3A_515 = math.sqrt %add3A_500 : vector<1024x256xf32>
        %mul3A_516 = arith.mulf %add3A_500, %sqrt3A_515 : vector<1024x256xf32>
        %sub3A_517 = arith.constant 1.000000e+00 : f32
        %sub3A_518 = vector.broadcast %sub3A_517 : f32 to vector<1024x256xf32>
        %sub3A_519 = arith.subf %sub3A_518, %mul3A_516 : vector<1024x256xf32>
        %mul3A_520 = arith.mulf %convert_element_type3A_514, %sub3A_519 : vector<1024x256xf32>
        %convert_element_type3A_521 = arith.truncf %convert_element_type3A_514 : vector<1024x256xf32> to vector<1024x256xbf16>
        %get3A_522 = arith.index_cast %mul3A_477 : i32 to index
        %get3A_523 = arith.constant 0 : index
        %get3A_524 = vector.load %arg5[%get3A_522, %get3A_523] : memref<8192x8xbf16, #tpu.memory_space<vmem>>, vector<256x8xbf16>
        %get3A_525 = arith.index_cast %mul3A_477 : i32 to index
        %get3A_526 = arith.constant 0 : index
        %get3A_527 = vector.load %arg6[%get3A_525, %get3A_526] : memref<8192x8xbf16, #tpu.memory_space<vmem>>, vector<256x8xbf16>
        %get3A_528 = arith.index_cast %mul3A_477 : i32 to index
        %get3A_529 = arith.constant 0 : index
        %get3A_530 = vector.load %arg7[%get3A_528, %get3A_529] : memref<8192x8xbf16, #tpu.memory_space<vmem>>, vector<256x8xbf16>
        %dot_general3A_531 = arith.constant dense<0.000000e+00> : vector<1024x8xf32>
        %dot_general3A_532 = tpu.matmul %convert_element_type3A_521, %get3A_524, %dot_general3A_531 {dimension_numbers = #tpu.dot_dimension_numbers<[1], [0], [0], [1], [0, 0, 1, 1], [], []>, transpose_lhs_hint = false} : vector<1024x256xbf16>, vector<256x8xbf16>, vector<1024x8xf32> -> vector<1024x8xf32>
        %dot_general3A_533 = arith.constant dense<0.000000e+00> : vector<1024x8xf32>
        %dot_general3A_534 = tpu.matmul %convert_element_type3A_521, %get3A_527, %dot_general3A_533 {dimension_numbers = #tpu.dot_dimension_numbers<[1], [0], [0], [1], [0, 0, 1, 1], [], []>, transpose_lhs_hint = false} : vector<1024x256xbf16>, vector<256x8xbf16>, vector<1024x8xf32> -> vector<1024x8xf32>
        %add3A_535 = arith.addf %dot_general3A_532, %dot_general3A_534 : vector<1024x8xf32>
        %dot_general3A_536 = arith.constant dense<0.000000e+00> : vector<1024x8xf32>
        %dot_general3A_537 = tpu.matmul %convert_element_type3A_521, %get3A_530, %dot_general3A_536 {dimension_numbers = #tpu.dot_dimension_numbers<[1], [0], [0], [1], [0, 0, 1, 1], [], []>, transpose_lhs_hint = false} : vector<1024x256xbf16>, vector<256x8xbf16>, vector<1024x8xf32> -> vector<1024x8xf32>
        %add3A_538 = arith.addf %add3A_535, %dot_general3A_537 : vector<1024x8xf32>
        %add3A_539 = arith.addf %scan3A_464, %add3A_538 : vector<1024x8xf32>
        %convert_element_type3A_540 = arith.truncf %mul3A_520 : vector<1024x256xf32> to vector<1024x256xbf16>
        %convert_element_type3A_541 = arith.extf %convert_element_type3A_540 : vector<1024x256xbf16> to vector<1024x256xf32>
        %sub3A_542 = arith.subf %mul3A_520, %convert_element_type3A_541 : vector<1024x256xf32>
        %convert_element_type3A_543 = arith.truncf %sub3A_542 : vector<1024x256xf32> to vector<1024x256xbf16>
        %convert_element_type3A_544 = arith.extf %convert_element_type3A_543 : vector<1024x256xbf16> to vector<1024x256xf32>
        %sub3A_545 = arith.subf %sub3A_542, %convert_element_type3A_544 : vector<1024x256xf32>
        %convert_element_type3A_546 = arith.truncf %sub3A_545 : vector<1024x256xf32> to vector<1024x256xbf16>
        %dot_general3A_547 = arith.constant dense<0.000000e+00> : vector<1024x8xf32>
        %dot_general3A_548 = tpu.matmul %convert_element_type3A_540, %get3A_524, %dot_general3A_547 {dimension_numbers = #tpu.dot_dimension_numbers<[1], [0], [0], [1], [0, 0, 1, 1], [], []>, transpose_lhs_hint = false} : vector<1024x256xbf16>, vector<256x8xbf16>, vector<1024x8xf32> -> vector<1024x8xf32>
        %dot_general3A_549 = arith.constant dense<0.000000e+00> : vector<1024x8xf32>
        %dot_general3A_550 = tpu.matmul %convert_element_type3A_543, %get3A_524, %dot_general3A_549 {dimension_numbers = #tpu.dot_dimension_numbers<[1], [0], [0], [1], [0, 0, 1, 1], [], []>, transpose_lhs_hint = false} : vector<1024x256xbf16>, vector<256x8xbf16>, vector<1024x8xf32> -> vector<1024x8xf32>
        %add3A_551 = arith.addf %dot_general3A_548, %dot_general3A_550 : vector<1024x8xf32>
        %dot_general3A_552 = arith.constant dense<0.000000e+00> : vector<1024x8xf32>
        %dot_general3A_553 = tpu.matmul %convert_element_type3A_546, %get3A_524, %dot_general3A_552 {dimension_numbers = #tpu.dot_dimension_numbers<[1], [0], [0], [1], [0, 0, 1, 1], [], []>, transpose_lhs_hint = false} : vector<1024x256xbf16>, vector<256x8xbf16>, vector<1024x8xf32> -> vector<1024x8xf32>
        %add3A_554 = arith.addf %add3A_551, %dot_general3A_553 : vector<1024x8xf32>
        %dot_general3A_555 = arith.constant dense<0.000000e+00> : vector<1024x8xf32>
        %dot_general3A_556 = tpu.matmul %convert_element_type3A_540, %get3A_527, %dot_general3A_555 {dimension_numbers = #tpu.dot_dimension_numbers<[1], [0], [0], [1], [0, 0, 1, 1], [], []>, transpose_lhs_hint = false} : vector<1024x256xbf16>, vector<256x8xbf16>, vector<1024x8xf32> -> vector<1024x8xf32>
        %add3A_557 = arith.addf %add3A_554, %dot_general3A_556 : vector<1024x8xf32>
        %dot_general3A_558 = arith.constant dense<0.000000e+00> : vector<1024x8xf32>
        %dot_general3A_559 = tpu.matmul %convert_element_type3A_543, %get3A_527, %dot_general3A_558 {dimension_numbers = #tpu.dot_dimension_numbers<[1], [0], [0], [1], [0, 0, 1, 1], [], []>, transpose_lhs_hint = false} : vector<1024x256xbf16>, vector<256x8xbf16>, vector<1024x8xf32> -> vector<1024x8xf32>
        %add3A_560 = arith.addf %add3A_557, %dot_general3A_559 : vector<1024x8xf32>
        %dot_general3A_561 = arith.constant dense<0.000000e+00> : vector<1024x8xf32>
        %dot_general3A_562 = tpu.matmul %convert_element_type3A_540, %get3A_530, %dot_general3A_561 {dimension_numbers = #tpu.dot_dimension_numbers<[1], [0], [0], [1], [0, 0, 1, 1], [], []>, transpose_lhs_hint = false} : vector<1024x256xbf16>, vector<256x8xbf16>, vector<1024x8xf32> -> vector<1024x8xf32>
        %add3A_563 = arith.addf %add3A_560, %dot_general3A_562 : vector<1024x8xf32>
        %add3A_564 = arith.addf %scan3A_465, %add3A_563 : vector<1024x8xf32>
        %eq3A_565 = arith.constant 0.000000e+00 : f32
        %eq3A_566 = vector.broadcast %eq3A_565 : f32 to vector<1024x256xf32>
        %eq3A_567 = arith.cmpf oeq, %add3A_500, %eq3A_566 : vector<1024x256xf32>
        %convert_element_type3A_568 = arith.extui %eq3A_567 : vector<1024x256xi1> to vector<1024x256xi32>
        %convert_element_type3A_569 = arith.sitofp %convert_element_type3A_568 : vector<1024x256xi32> to vector<1024x256xf32>
        %mul3A_570 = arith.mulf %convert_element_type3A_514, %convert_element_type3A_569 : vector<1024x256xf32>
        %convert_element_type3A_571 = arith.truncf %mul3A_570 : vector<1024x256xf32> to vector<1024x256xbf16>
        %dot_general3A_572 = arith.constant dense<0.000000e+00> : vector<1024x8xf32>
        %dot_general3A_573 = tpu.matmul %convert_element_type3A_571, %get3A_524, %dot_general3A_572 {dimension_numbers = #tpu.dot_dimension_numbers<[1], [0], [0], [1], [0, 0, 1, 1], [], []>, transpose_lhs_hint = false} : vector<1024x256xbf16>, vector<256x8xbf16>, vector<1024x8xf32> -> vector<1024x8xf32>
        %slice3A_574 = vector.extract_strided_slice %dot_general3A_573 {offsets = [0, 6], sizes = [1024, 1], strides = [1, 1]} : vector<1024x8xf32> to vector<1024x1xf32>
        %add3A_575 = arith.addf %scan3A_466, %slice3A_574 : vector<1024x1xf32>
        %slice3A_576 = vector.extract_strided_slice %dot_general3A_507 {offsets = [0, 255], sizes = [1024, 1], strides = [1, 1]} : vector<1024x256xf32> to vector<1024x1xf32>
        %add3A_577 = arith.addf %scan3A_463, %slice3A_576 : vector<1024x1xf32>
        scf.yield %add3A_577, %add3A_539, %add3A_564, %add3A_575 : vector<1024x1xf32>, vector<1024x8xf32>, vector<1024x8xf32>, vector<1024x1xf32>
      }
      scf.yield %cond3A_475#0, %cond3A_475#1, %cond3A_475#2, %cond3A_475#3 : vector<1024x1xf32>, vector<1024x8xf32>, vector<1024x8xf32>, vector<1024x1xf32>
    }
    %scan3A_18 = arith.constant 32 : i32
    %slice3A_19 = vector.extract_strided_slice %scan3A_17#1 {offsets = [0, 6], sizes = [1024, 1], strides = [1, 1]} : vector<1024x8xf32> to vector<1024x1xf32>
    %slice3A_20 = vector.extract_strided_slice %scan3A_17#1 {offsets = [0, 0], sizes = [1024, 3], strides = [1, 1]} : vector<1024x8xf32> to vector<1024x3xf32>
    %slice3A_21 = vector.extract_strided_slice %scan3A_17#1 {offsets = [0, 3], sizes = [1024, 3], strides = [1, 1]} : vector<1024x8xf32> to vector<1024x3xf32>
    %slice3A_22 = vector.extract_strided_slice %scan3A_17#2 {offsets = [0, 6], sizes = [1024, 1], strides = [1, 1]} : vector<1024x8xf32> to vector<1024x1xf32>
    %slice3A_23 = vector.extract_strided_slice %scan3A_17#2 {offsets = [0, 0], sizes = [1024, 3], strides = [1, 1]} : vector<1024x8xf32> to vector<1024x3xf32>
    %add3A = arith.constant 9.99999996E-13 : f32
    %add3A_24 = vector.broadcast %add3A : f32 to vector<1024x1xf32>
    %add3A_25 = arith.addf %slice3A_22, %add3A_24 : vector<1024x1xf32>
    %div3A = vector.broadcast %add3A_25 : vector<1024x1xf32> to vector<1024x3xf32>
    %div3A_26 = arith.divf %slice3A_23, %div3A : vector<1024x3xf32>
    %mul3A = vector.broadcast %slice3A_19 : vector<1024x1xf32> to vector<1024x3xf32>
    %mul3A_27 = arith.mulf %mul3A, %get3A_1 : vector<1024x3xf32>
    %sub3A = arith.subf %slice3A_20, %mul3A_27 : vector<1024x3xf32>
    %add3A_28 = arith.constant 9.99999996E-13 : f32
    %add3A_29 = vector.broadcast %add3A_28 : f32 to vector<1024x1xf32>
    %add3A_30 = arith.addf %slice3A_19, %add3A_29 : vector<1024x1xf32>
    %div3A_31 = vector.broadcast %add3A_30 : vector<1024x1xf32> to vector<1024x3xf32>
    %div3A_32 = arith.divf %sub3A, %div3A_31 : vector<1024x3xf32>
    %mul3A_33 = arith.constant 2.000000e+00 : f32
    %mul3A_34 = vector.broadcast %mul3A_33 : f32 to vector<1024x3xf32>
    %mul3A_35 = arith.mulf %mul3A_34, %get3A_1 : vector<1024x3xf32>
    %mul3A_36 = arith.mulf %mul3A_35, %slice3A_20 : vector<1024x3xf32>
    %sub3A_37 = arith.subf %slice3A_21, %mul3A_36 : vector<1024x3xf32>
    %mul3A_38 = arith.mulf %get3A_1, %get3A_1 : vector<1024x3xf32>
    %mul3A_39 = vector.broadcast %slice3A_19 : vector<1024x1xf32> to vector<1024x3xf32>
    %mul3A_40 = arith.mulf %mul3A_39, %mul3A_38 : vector<1024x3xf32>
    %add3A_41 = arith.addf %sub3A_37, %mul3A_40 : vector<1024x3xf32>
    %mul3A_42 = arith.constant 2.000000e+00 : f32
    %mul3A_43 = vector.broadcast %mul3A_42 : f32 to vector<1024x3xf32>
    %mul3A_44 = arith.mulf %mul3A_43, %div3A_32 : vector<1024x3xf32>
    %mul3A_45 = arith.mulf %mul3A_44, %sub3A : vector<1024x3xf32>
    %sub3A_46 = arith.subf %add3A_41, %mul3A_45 : vector<1024x3xf32>
    %mul3A_47 = arith.mulf %div3A_32, %div3A_32 : vector<1024x3xf32>
    %mul3A_48 = vector.broadcast %slice3A_19 : vector<1024x1xf32> to vector<1024x3xf32>
    %mul3A_49 = arith.mulf %mul3A_48, %mul3A_47 : vector<1024x3xf32>
    %add3A_50 = arith.addf %sub3A_46, %mul3A_49 : vector<1024x3xf32>
    %add3A_51 = arith.constant 9.99999996E-13 : f32
    %add3A_52 = vector.broadcast %add3A_51 : f32 to vector<1024x1xf32>
    %add3A_53 = arith.addf %slice3A_19, %add3A_52 : vector<1024x1xf32>
    %div3A_54 = vector.broadcast %add3A_53 : vector<1024x1xf32> to vector<1024x3xf32>
    %div3A_55 = arith.divf %add3A_50, %div3A_54 : vector<1024x3xf32>
    %get3A_56 = arith.constant 0 : index
    %get3A_57 = arith.constant 0 : index
    %get3A_58 = vector.load %arg8[%get3A_56, %get3A_57] : memref<1x3xf32, #tpu.memory_space<vmem>>, vector<1x3xf32>
    %sub3A_59 = vector.broadcast %get3A_58 : vector<1x3xf32> to vector<1024x3xf32>
    %sub3A_60 = arith.subf %div3A_26, %sub3A_59 : vector<1024x3xf32>
    %mul3A_61 = arith.mulf %sub3A_60, %sub3A_60 : vector<1024x3xf32>
    %reduce_sum3A = arith.constant dense<0.000000e+00> : vector<1024xf32>
    %reduce_sum3A_62 = vector.multi_reduction <add>, %mul3A_61, %reduce_sum3A [1] : vector<1024x3xf32> to vector<1024xf32>
    %broadcast_in_dim3A_63 = vector.shape_cast %reduce_sum3A_62 : vector<1024xf32> to vector<1024x1xf32>
    %sqrt3A = math.sqrt %broadcast_in_dim3A_63 : vector<1024x1xf32>
    %div3A_64 = vector.broadcast %sqrt3A : vector<1024x1xf32> to vector<1024x3xf32>
    %div3A_65 = arith.divf %sub3A_60, %div3A_64 : vector<1024x3xf32>
    %concatenate3A = tpu.concatenate %get3A_1, %div3A_26, %div3A_55, %slice3A_22 in 1 : vector<1024x3xf32>, vector<1024x3xf32>, vector<1024x3xf32>, vector<1024x1xf32> -> vector<1024x10xf32>
    %slice3A_66 = vector.extract_strided_slice %concatenate3A {offsets = [0, 0], sizes = [1024, 9], strides = [1, 1]} : vector<1024x10xf32> to vector<1024x9xf32>
    %mul3A_67 = arith.constant 1.000000e+00 : f32
    %mul3A_68 = vector.broadcast %mul3A_67 : f32 to vector<1024x10xf32>
    %mul3A_69 = arith.mulf %concatenate3A, %mul3A_68 : vector<1024x10xf32>
    %mul3A_70 = arith.constant 2.000000e+00 : f32
    %mul3A_71 = vector.broadcast %mul3A_70 : f32 to vector<1024x10xf32>
    %mul3A_72 = arith.mulf %concatenate3A, %mul3A_71 : vector<1024x10xf32>
    %mul3A_73 = arith.constant 4.000000e+00 : f32
    %mul3A_74 = vector.broadcast %mul3A_73 : f32 to vector<1024x10xf32>
    %mul3A_75 = arith.mulf %concatenate3A, %mul3A_74 : vector<1024x10xf32>
    %mul3A_76 = arith.constant 8.000000e+00 : f32
    %mul3A_77 = vector.broadcast %mul3A_76 : f32 to vector<1024x10xf32>
    %mul3A_78 = arith.mulf %concatenate3A, %mul3A_77 : vector<1024x10xf32>
    %mul3A_79 = arith.constant 1.600000e+01 : f32
    %mul3A_80 = vector.broadcast %mul3A_79 : f32 to vector<1024x9xf32>
    %mul3A_81 = arith.mulf %slice3A_66, %mul3A_80 : vector<1024x9xf32>
    %mul3A_82 = arith.constant 3.200000e+01 : f32
    %mul3A_83 = vector.broadcast %mul3A_82 : f32 to vector<1024x9xf32>
    %mul3A_84 = arith.mulf %slice3A_66, %mul3A_83 : vector<1024x9xf32>
    %mul3A_85 = arith.constant 6.400000e+01 : f32
    %mul3A_86 = vector.broadcast %mul3A_85 : f32 to vector<1024x9xf32>
    %mul3A_87 = arith.mulf %slice3A_66, %mul3A_86 : vector<1024x9xf32>
    %mul3A_88 = arith.constant 1.280000e+02 : f32
    %mul3A_89 = vector.broadcast %mul3A_88 : f32 to vector<1024x9xf32>
    %mul3A_90 = arith.mulf %slice3A_66, %mul3A_89 : vector<1024x9xf32>
    %mul3A_91 = arith.constant 2.560000e+02 : f32
    %mul3A_92 = vector.broadcast %mul3A_91 : f32 to vector<1024x9xf32>
    %mul3A_93 = arith.mulf %slice3A_66, %mul3A_92 : vector<1024x9xf32>
    %mul3A_94 = arith.constant 5.120000e+02 : f32
    %mul3A_95 = vector.broadcast %mul3A_94 : f32 to vector<1024x9xf32>
    %mul3A_96 = arith.mulf %slice3A_66, %mul3A_95 : vector<1024x9xf32>
    %concatenate3A_97 = tpu.concatenate %mul3A_69, %mul3A_72, %mul3A_75, %mul3A_78, %mul3A_81, %mul3A_84, %mul3A_87, %mul3A_90, %mul3A_93, %mul3A_96 in 1 : vector<1024x10xf32>, vector<1024x10xf32>, vector<1024x10xf32>, vector<1024x10xf32>, vector<1024x9xf32>, vector<1024x9xf32>, vector<1024x9xf32>, vector<1024x9xf32>, vector<1024x9xf32>, vector<1024x9xf32> -> vector<1024x94xf32>
    %sin3A = math.sin %concatenate3A_97 : vector<1024x94xf32>
    %cos3A = math.cos %concatenate3A_97 : vector<1024x94xf32>
    %concatenate3A_98 = tpu.concatenate %concatenate3A, %sin3A, %cos3A in 1 : vector<1024x10xf32>, vector<1024x94xf32>, vector<1024x94xf32> -> vector<1024x198xf32>
    %get3A_99 = arith.constant 0 : index
    %get3A_100 = arith.constant 0 : index
    %get3A_101 = vector.load %arg2[%get3A_99, %get3A_100] : memref<1024x3xf32, #tpu.memory_space<vmem>>, vector<1024x3xf32>
    %concatenate3A_102 = tpu.concatenate %get3A_101, %div3A_65 in 1 : vector<1024x3xf32>, vector<1024x3xf32> -> vector<1024x6xf32>
    %mul3A_103 = arith.constant 1.000000e+00 : f32
    %mul3A_104 = vector.broadcast %mul3A_103 : f32 to vector<1024x6xf32>
    %mul3A_105 = arith.mulf %concatenate3A_102, %mul3A_104 : vector<1024x6xf32>
    %mul3A_106 = arith.constant 2.000000e+00 : f32
    %mul3A_107 = vector.broadcast %mul3A_106 : f32 to vector<1024x6xf32>
    %mul3A_108 = arith.mulf %concatenate3A_102, %mul3A_107 : vector<1024x6xf32>
    %mul3A_109 = arith.constant 4.000000e+00 : f32
    %mul3A_110 = vector.broadcast %mul3A_109 : f32 to vector<1024x6xf32>
    %mul3A_111 = arith.mulf %concatenate3A_102, %mul3A_110 : vector<1024x6xf32>
    %mul3A_112 = arith.constant 8.000000e+00 : f32
    %mul3A_113 = vector.broadcast %mul3A_112 : f32 to vector<1024x6xf32>
    %mul3A_114 = arith.mulf %concatenate3A_102, %mul3A_113 : vector<1024x6xf32>
    %concatenate3A_115 = tpu.concatenate %mul3A_105, %mul3A_108, %mul3A_111, %mul3A_114 in 1 : vector<1024x6xf32>, vector<1024x6xf32>, vector<1024x6xf32>, vector<1024x6xf32> -> vector<1024x24xf32>
    %sin3A_116 = math.sin %concatenate3A_115 : vector<1024x24xf32>
    %cos3A_117 = math.cos %concatenate3A_115 : vector<1024x24xf32>
    %concatenate3A_118 = tpu.concatenate %concatenate3A_102, %sin3A_116, %cos3A_117 in 1 : vector<1024x6xf32>, vector<1024x24xf32>, vector<1024x24xf32> -> vector<1024x54xf32>
    %get3A_119 = arith.constant 0 : index
    %get3A_120 = arith.constant 0 : index
    %get3A_121 = vector.load %arg9[%get3A_119, %get3A_120] : memref<198x256xf32, #tpu.memory_space<vmem>>, vector<198x256xf32>
    %convert_element_type3A = arith.truncf %concatenate3A_98 : vector<1024x198xf32> to vector<1024x198xbf16>
    %convert_element_type3A_122 = arith.extf %convert_element_type3A : vector<1024x198xbf16> to vector<1024x198xf32>
    %sub3A_123 = arith.subf %concatenate3A_98, %convert_element_type3A_122 : vector<1024x198xf32>
    %convert_element_type3A_124 = arith.truncf %sub3A_123 : vector<1024x198xf32> to vector<1024x198xbf16>
    %convert_element_type3A_125 = arith.truncf %get3A_121 : vector<198x256xf32> to vector<198x256xbf16>
    %convert_element_type3A_126 = arith.extf %convert_element_type3A_125 : vector<198x256xbf16> to vector<198x256xf32>
    %sub3A_127 = arith.subf %get3A_121, %convert_element_type3A_126 : vector<198x256xf32>
    %convert_element_type3A_128 = arith.truncf %sub3A_127 : vector<198x256xf32> to vector<198x256xbf16>
    %dot_general3A = arith.constant dense<0.000000e+00> : vector<1024x256xf32>
    %dot_general3A_129 = tpu.matmul %convert_element_type3A, %convert_element_type3A_125, %dot_general3A {dimension_numbers = #tpu.dot_dimension_numbers<[1], [0], [0], [1], [0, 0, 1, 1], [], []>, transpose_lhs_hint = false} : vector<1024x198xbf16>, vector<198x256xbf16>, vector<1024x256xf32> -> vector<1024x256xf32>
    %dot_general3A_130 = arith.constant dense<0.000000e+00> : vector<1024x256xf32>
    %dot_general3A_131 = tpu.matmul %convert_element_type3A_124, %convert_element_type3A_125, %dot_general3A_130 {dimension_numbers = #tpu.dot_dimension_numbers<[1], [0], [0], [1], [0, 0, 1, 1], [], []>, transpose_lhs_hint = false} : vector<1024x198xbf16>, vector<198x256xbf16>, vector<1024x256xf32> -> vector<1024x256xf32>
    %add3A_132 = arith.addf %dot_general3A_129, %dot_general3A_131 : vector<1024x256xf32>
    %dot_general3A_133 = arith.constant dense<0.000000e+00> : vector<1024x256xf32>
    %dot_general3A_134 = tpu.matmul %convert_element_type3A, %convert_element_type3A_128, %dot_general3A_133 {dimension_numbers = #tpu.dot_dimension_numbers<[1], [0], [0], [1], [0, 0, 1, 1], [], []>, transpose_lhs_hint = false} : vector<1024x198xbf16>, vector<198x256xbf16>, vector<1024x256xf32> -> vector<1024x256xf32>
    %add3A_135 = arith.addf %add3A_132, %dot_general3A_134 : vector<1024x256xf32>
    %get3A_136 = arith.constant 0 : index
    %get3A_137 = arith.constant 0 : index
    %get3A_138 = vector.load %arg10[%get3A_136, %get3A_137] : memref<1x256xf32, #tpu.memory_space<vmem>>, vector<1x256xf32>
    %add3A_139 = vector.broadcast %get3A_138 : vector<1x256xf32> to vector<1024x256xf32>
    %add3A_140 = arith.addf %add3A_135, %add3A_139 : vector<1024x256xf32>
    %max3A = arith.constant 0.000000e+00 : f32
    %max3A_141 = vector.broadcast %max3A : f32 to vector<1024x256xf32>
    %max3A_142 = arith.maximumf %add3A_140, %max3A_141 : vector<1024x256xf32>
    %get3A_143 = arith.constant 0 : index
    %get3A_144 = arith.constant 0 : index
    %get3A_145 = vector.load %arg11[%get3A_143, %get3A_144] : memref<256x256xf32, #tpu.memory_space<vmem>>, vector<256x256xf32>
    %convert_element_type3A_146 = arith.truncf %max3A_142 : vector<1024x256xf32> to vector<1024x256xbf16>
    %convert_element_type3A_147 = arith.extf %convert_element_type3A_146 : vector<1024x256xbf16> to vector<1024x256xf32>
    %sub3A_148 = arith.subf %max3A_142, %convert_element_type3A_147 : vector<1024x256xf32>
    %convert_element_type3A_149 = arith.truncf %sub3A_148 : vector<1024x256xf32> to vector<1024x256xbf16>
    %convert_element_type3A_150 = arith.truncf %get3A_145 : vector<256x256xf32> to vector<256x256xbf16>
    %convert_element_type3A_151 = arith.extf %convert_element_type3A_150 : vector<256x256xbf16> to vector<256x256xf32>
    %sub3A_152 = arith.subf %get3A_145, %convert_element_type3A_151 : vector<256x256xf32>
    %convert_element_type3A_153 = arith.truncf %sub3A_152 : vector<256x256xf32> to vector<256x256xbf16>
    %dot_general3A_154 = arith.constant dense<0.000000e+00> : vector<1024x256xf32>
    %dot_general3A_155 = tpu.matmul %convert_element_type3A_146, %convert_element_type3A_150, %dot_general3A_154 {dimension_numbers = #tpu.dot_dimension_numbers<[1], [0], [0], [1], [0, 0, 1, 1], [], []>, transpose_lhs_hint = false} : vector<1024x256xbf16>, vector<256x256xbf16>, vector<1024x256xf32> -> vector<1024x256xf32>
    %dot_general3A_156 = arith.constant dense<0.000000e+00> : vector<1024x256xf32>
    %dot_general3A_157 = tpu.matmul %convert_element_type3A_149, %convert_element_type3A_150, %dot_general3A_156 {dimension_numbers = #tpu.dot_dimension_numbers<[1], [0], [0], [1], [0, 0, 1, 1], [], []>, transpose_lhs_hint = false} : vector<1024x256xbf16>, vector<256x256xbf16>, vector<1024x256xf32> -> vector<1024x256xf32>
    %add3A_158 = arith.addf %dot_general3A_155, %dot_general3A_157 : vector<1024x256xf32>
    %dot_general3A_159 = arith.constant dense<0.000000e+00> : vector<1024x256xf32>
    %dot_general3A_160 = tpu.matmul %convert_element_type3A_146, %convert_element_type3A_153, %dot_general3A_159 {dimension_numbers = #tpu.dot_dimension_numbers<[1], [0], [0], [1], [0, 0, 1, 1], [], []>, transpose_lhs_hint = false} : vector<1024x256xbf16>, vector<256x256xbf16>, vector<1024x256xf32> -> vector<1024x256xf32>
    %add3A_161 = arith.addf %add3A_158, %dot_general3A_160 : vector<1024x256xf32>
    %get3A_162 = arith.constant 0 : index
    %get3A_163 = arith.constant 0 : index
    %get3A_164 = vector.load %arg12[%get3A_162, %get3A_163] : memref<1x256xf32, #tpu.memory_space<vmem>>, vector<1x256xf32>
    %add3A_165 = vector.broadcast %get3A_164 : vector<1x256xf32> to vector<1024x256xf32>
    %add3A_166 = arith.addf %add3A_161, %add3A_165 : vector<1024x256xf32>
    %max3A_167 = arith.constant 0.000000e+00 : f32
    %max3A_168 = vector.broadcast %max3A_167 : f32 to vector<1024x256xf32>
    %max3A_169 = arith.maximumf %add3A_166, %max3A_168 : vector<1024x256xf32>
    %get3A_170 = arith.constant 0 : index
    %get3A_171 = arith.constant 0 : index
    %get3A_172 = vector.load %arg13[%get3A_170, %get3A_171] : memref<256x256xf32, #tpu.memory_space<vmem>>, vector<256x256xf32>
    %convert_element_type3A_173 = arith.truncf %max3A_169 : vector<1024x256xf32> to vector<1024x256xbf16>
    %convert_element_type3A_174 = arith.extf %convert_element_type3A_173 : vector<1024x256xbf16> to vector<1024x256xf32>
    %sub3A_175 = arith.subf %max3A_169, %convert_element_type3A_174 : vector<1024x256xf32>
    %convert_element_type3A_176 = arith.truncf %sub3A_175 : vector<1024x256xf32> to vector<1024x256xbf16>
    %convert_element_type3A_177 = arith.truncf %get3A_172 : vector<256x256xf32> to vector<256x256xbf16>
    %convert_element_type3A_178 = arith.extf %convert_element_type3A_177 : vector<256x256xbf16> to vector<256x256xf32>
    %sub3A_179 = arith.subf %get3A_172, %convert_element_type3A_178 : vector<256x256xf32>
    %convert_element_type3A_180 = arith.truncf %sub3A_179 : vector<256x256xf32> to vector<256x256xbf16>
    %dot_general3A_181 = arith.constant dense<0.000000e+00> : vector<1024x256xf32>
    %dot_general3A_182 = tpu.matmul %convert_element_type3A_173, %convert_element_type3A_177, %dot_general3A_181 {dimension_numbers = #tpu.dot_dimension_numbers<[1], [0], [0], [1], [0, 0, 1, 1], [], []>, transpose_lhs_hint = false} : vector<1024x256xbf16>, vector<256x256xbf16>, vector<1024x256xf32> -> vector<1024x256xf32>
    %dot_general3A_183 = arith.constant dense<0.000000e+00> : vector<1024x256xf32>
    %dot_general3A_184 = tpu.matmul %convert_element_type3A_176, %convert_element_type3A_177, %dot_general3A_183 {dimension_numbers = #tpu.dot_dimension_numbers<[1], [0], [0], [1], [0, 0, 1, 1], [], []>, transpose_lhs_hint = false} : vector<1024x256xbf16>, vector<256x256xbf16>, vector<1024x256xf32> -> vector<1024x256xf32>
    %add3A_185 = arith.addf %dot_general3A_182, %dot_general3A_184 : vector<1024x256xf32>
    %dot_general3A_186 = arith.constant dense<0.000000e+00> : vector<1024x256xf32>
    %dot_general3A_187 = tpu.matmul %convert_element_type3A_173, %convert_element_type3A_180, %dot_general3A_186 {dimension_numbers = #tpu.dot_dimension_numbers<[1], [0], [0], [1], [0, 0, 1, 1], [], []>, transpose_lhs_hint = false} : vector<1024x256xbf16>, vector<256x256xbf16>, vector<1024x256xf32> -> vector<1024x256xf32>
    %add3A_188 = arith.addf %add3A_185, %dot_general3A_187 : vector<1024x256xf32>
    %get3A_189 = arith.constant 0 : index
    %get3A_190 = arith.constant 0 : index
    %get3A_191 = vector.load %arg14[%get3A_189, %get3A_190] : memref<1x256xf32, #tpu.memory_space<vmem>>, vector<1x256xf32>
    %add3A_192 = vector.broadcast %get3A_191 : vector<1x256xf32> to vector<1024x256xf32>
    %add3A_193 = arith.addf %add3A_188, %add3A_192 : vector<1024x256xf32>
    %max3A_194 = arith.constant 0.000000e+00 : f32
    %max3A_195 = vector.broadcast %max3A_194 : f32 to vector<1024x256xf32>
    %max3A_196 = arith.maximumf %add3A_193, %max3A_195 : vector<1024x256xf32>
    %get3A_197 = arith.constant 0 : index
    %get3A_198 = arith.constant 0 : index
    %get3A_199 = vector.load %arg15[%get3A_197, %get3A_198] : memref<256x256xf32, #tpu.memory_space<vmem>>, vector<256x256xf32>
    %convert_element_type3A_200 = arith.truncf %max3A_196 : vector<1024x256xf32> to vector<1024x256xbf16>
    %convert_element_type3A_201 = arith.extf %convert_element_type3A_200 : vector<1024x256xbf16> to vector<1024x256xf32>
    %sub3A_202 = arith.subf %max3A_196, %convert_element_type3A_201 : vector<1024x256xf32>
    %convert_element_type3A_203 = arith.truncf %sub3A_202 : vector<1024x256xf32> to vector<1024x256xbf16>
    %convert_element_type3A_204 = arith.truncf %get3A_199 : vector<256x256xf32> to vector<256x256xbf16>
    %convert_element_type3A_205 = arith.extf %convert_element_type3A_204 : vector<256x256xbf16> to vector<256x256xf32>
    %sub3A_206 = arith.subf %get3A_199, %convert_element_type3A_205 : vector<256x256xf32>
    %convert_element_type3A_207 = arith.truncf %sub3A_206 : vector<256x256xf32> to vector<256x256xbf16>
    %dot_general3A_208 = arith.constant dense<0.000000e+00> : vector<1024x256xf32>
    %dot_general3A_209 = tpu.matmul %convert_element_type3A_200, %convert_element_type3A_204, %dot_general3A_208 {dimension_numbers = #tpu.dot_dimension_numbers<[1], [0], [0], [1], [0, 0, 1, 1], [], []>, transpose_lhs_hint = false} : vector<1024x256xbf16>, vector<256x256xbf16>, vector<1024x256xf32> -> vector<1024x256xf32>
    %dot_general3A_210 = arith.constant dense<0.000000e+00> : vector<1024x256xf32>
    %dot_general3A_211 = tpu.matmul %convert_element_type3A_203, %convert_element_type3A_204, %dot_general3A_210 {dimension_numbers = #tpu.dot_dimension_numbers<[1], [0], [0], [1], [0, 0, 1, 1], [], []>, transpose_lhs_hint = false} : vector<1024x256xbf16>, vector<256x256xbf16>, vector<1024x256xf32> -> vector<1024x256xf32>
    %add3A_212 = arith.addf %dot_general3A_209, %dot_general3A_211 : vector<1024x256xf32>
    %dot_general3A_213 = arith.constant dense<0.000000e+00> : vector<1024x256xf32>
    %dot_general3A_214 = tpu.matmul %convert_element_type3A_200, %convert_element_type3A_207, %dot_general3A_213 {dimension_numbers = #tpu.dot_dimension_numbers<[1], [0], [0], [1], [0, 0, 1, 1], [], []>, transpose_lhs_hint = false} : vector<1024x256xbf16>, vector<256x256xbf16>, vector<1024x256xf32> -> vector<1024x256xf32>
    %add3A_215 = arith.addf %add3A_212, %dot_general3A_214 : vector<1024x256xf32>
    %get3A_216 = arith.constant 0 : index
    %get3A_217 = arith.constant 0 : index
    %get3A_218 = vector.load %arg16[%get3A_216, %get3A_217] : memref<1x256xf32, #tpu.memory_space<vmem>>, vector<1x256xf32>
    %add3A_219 = vector.broadcast %get3A_218 : vector<1x256xf32> to vector<1024x256xf32>
    %add3A_220 = arith.addf %add3A_215, %add3A_219 : vector<1024x256xf32>
    %max3A_221 = arith.constant 0.000000e+00 : f32
    %max3A_222 = vector.broadcast %max3A_221 : f32 to vector<1024x256xf32>
    %max3A_223 = arith.maximumf %add3A_220, %max3A_222 : vector<1024x256xf32>
    %get3A_224 = arith.constant 0 : index
    %get3A_225 = arith.constant 0 : index
    %get3A_226 = vector.load %arg17[%get3A_224, %get3A_225] : memref<198x256xf32, #tpu.memory_space<vmem>>, vector<198x256xf32>
    %convert_element_type3A_227 = arith.truncf %concatenate3A_98 : vector<1024x198xf32> to vector<1024x198xbf16>
    %convert_element_type3A_228 = arith.extf %convert_element_type3A_227 : vector<1024x198xbf16> to vector<1024x198xf32>
    %sub3A_229 = arith.subf %concatenate3A_98, %convert_element_type3A_228 : vector<1024x198xf32>
    %convert_element_type3A_230 = arith.truncf %sub3A_229 : vector<1024x198xf32> to vector<1024x198xbf16>
    %convert_element_type3A_231 = arith.truncf %get3A_226 : vector<198x256xf32> to vector<198x256xbf16>
    %convert_element_type3A_232 = arith.extf %convert_element_type3A_231 : vector<198x256xbf16> to vector<198x256xf32>
    %sub3A_233 = arith.subf %get3A_226, %convert_element_type3A_232 : vector<198x256xf32>
    %convert_element_type3A_234 = arith.truncf %sub3A_233 : vector<198x256xf32> to vector<198x256xbf16>
    %dot_general3A_235 = arith.constant dense<0.000000e+00> : vector<1024x256xf32>
    %dot_general3A_236 = tpu.matmul %convert_element_type3A_227, %convert_element_type3A_231, %dot_general3A_235 {dimension_numbers = #tpu.dot_dimension_numbers<[1], [0], [0], [1], [0, 0, 1, 1], [], []>, transpose_lhs_hint = false} : vector<1024x198xbf16>, vector<198x256xbf16>, vector<1024x256xf32> -> vector<1024x256xf32>
    %dot_general3A_237 = arith.constant dense<0.000000e+00> : vector<1024x256xf32>
    %dot_general3A_238 = tpu.matmul %convert_element_type3A_230, %convert_element_type3A_231, %dot_general3A_237 {dimension_numbers = #tpu.dot_dimension_numbers<[1], [0], [0], [1], [0, 0, 1, 1], [], []>, transpose_lhs_hint = false} : vector<1024x198xbf16>, vector<198x256xbf16>, vector<1024x256xf32> -> vector<1024x256xf32>
    %add3A_239 = arith.addf %dot_general3A_236, %dot_general3A_238 : vector<1024x256xf32>
    %dot_general3A_240 = arith.constant dense<0.000000e+00> : vector<1024x256xf32>
    %dot_general3A_241 = tpu.matmul %convert_element_type3A_227, %convert_element_type3A_234, %dot_general3A_240 {dimension_numbers = #tpu.dot_dimension_numbers<[1], [0], [0], [1], [0, 0, 1, 1], [], []>, transpose_lhs_hint = false} : vector<1024x198xbf16>, vector<198x256xbf16>, vector<1024x256xf32> -> vector<1024x256xf32>
    %add3A_242 = arith.addf %add3A_239, %dot_general3A_241 : vector<1024x256xf32>
    %get3A_243 = arith.constant 0 : index
    %get3A_244 = arith.constant 0 : index
    %get3A_245 = vector.load %arg19[%get3A_243, %get3A_244] : memref<1x256xf32, #tpu.memory_space<vmem>>, vector<1x256xf32>
    %add3A_246 = vector.broadcast %get3A_245 : vector<1x256xf32> to vector<1024x256xf32>
    %add3A_247 = arith.addf %add3A_242, %add3A_246 : vector<1024x256xf32>
    %get3A_248 = arith.constant 0 : index
    %get3A_249 = arith.constant 0 : index
    %get3A_250 = vector.load %arg18[%get3A_248, %get3A_249] : memref<256x256xf32, #tpu.memory_space<vmem>>, vector<256x256xf32>
    %convert_element_type3A_251 = arith.truncf %max3A_223 : vector<1024x256xf32> to vector<1024x256xbf16>
    %convert_element_type3A_252 = arith.extf %convert_element_type3A_251 : vector<1024x256xbf16> to vector<1024x256xf32>
    %sub3A_253 = arith.subf %max3A_223, %convert_element_type3A_252 : vector<1024x256xf32>
    %convert_element_type3A_254 = arith.truncf %sub3A_253 : vector<1024x256xf32> to vector<1024x256xbf16>
    %convert_element_type3A_255 = arith.truncf %get3A_250 : vector<256x256xf32> to vector<256x256xbf16>
    %convert_element_type3A_256 = arith.extf %convert_element_type3A_255 : vector<256x256xbf16> to vector<256x256xf32>
    %sub3A_257 = arith.subf %get3A_250, %convert_element_type3A_256 : vector<256x256xf32>
    %convert_element_type3A_258 = arith.truncf %sub3A_257 : vector<256x256xf32> to vector<256x256xbf16>
    %dot_general3A_259 = arith.constant dense<0.000000e+00> : vector<1024x256xf32>
    %dot_general3A_260 = tpu.matmul %convert_element_type3A_251, %convert_element_type3A_255, %dot_general3A_259 {dimension_numbers = #tpu.dot_dimension_numbers<[1], [0], [0], [1], [0, 0, 1, 1], [], []>, transpose_lhs_hint = false} : vector<1024x256xbf16>, vector<256x256xbf16>, vector<1024x256xf32> -> vector<1024x256xf32>
    %dot_general3A_261 = arith.constant dense<0.000000e+00> : vector<1024x256xf32>
    %dot_general3A_262 = tpu.matmul %convert_element_type3A_254, %convert_element_type3A_255, %dot_general3A_261 {dimension_numbers = #tpu.dot_dimension_numbers<[1], [0], [0], [1], [0, 0, 1, 1], [], []>, transpose_lhs_hint = false} : vector<1024x256xbf16>, vector<256x256xbf16>, vector<1024x256xf32> -> vector<1024x256xf32>
    %add3A_263 = arith.addf %dot_general3A_260, %dot_general3A_262 : vector<1024x256xf32>
    %dot_general3A_264 = arith.constant dense<0.000000e+00> : vector<1024x256xf32>
    %dot_general3A_265 = tpu.matmul %convert_element_type3A_251, %convert_element_type3A_258, %dot_general3A_264 {dimension_numbers = #tpu.dot_dimension_numbers<[1], [0], [0], [1], [0, 0, 1, 1], [], []>, transpose_lhs_hint = false} : vector<1024x256xbf16>, vector<256x256xbf16>, vector<1024x256xf32> -> vector<1024x256xf32>
    %add3A_266 = arith.addf %add3A_263, %dot_general3A_265 : vector<1024x256xf32>
    %add3A_267 = arith.addf %add3A_247, %add3A_266 : vector<1024x256xf32>
    %max3A_268 = arith.constant 0.000000e+00 : f32
    %max3A_269 = vector.broadcast %max3A_268 : f32 to vector<1024x256xf32>
    %max3A_270 = arith.maximumf %add3A_267, %max3A_269 : vector<1024x256xf32>
    %get3A_271 = arith.constant 0 : index
    %get3A_272 = arith.constant 0 : index
    %get3A_273 = vector.load %arg20[%get3A_271, %get3A_272] : memref<256x256xf32, #tpu.memory_space<vmem>>, vector<256x256xf32>
    %convert_element_type3A_274 = arith.truncf %max3A_270 : vector<1024x256xf32> to vector<1024x256xbf16>
    %convert_element_type3A_275 = arith.extf %convert_element_type3A_274 : vector<1024x256xbf16> to vector<1024x256xf32>
    %sub3A_276 = arith.subf %max3A_270, %convert_element_type3A_275 : vector<1024x256xf32>
    %convert_element_type3A_277 = arith.truncf %sub3A_276 : vector<1024x256xf32> to vector<1024x256xbf16>
    %convert_element_type3A_278 = arith.truncf %get3A_273 : vector<256x256xf32> to vector<256x256xbf16>
    %convert_element_type3A_279 = arith.extf %convert_element_type3A_278 : vector<256x256xbf16> to vector<256x256xf32>
    %sub3A_280 = arith.subf %get3A_273, %convert_element_type3A_279 : vector<256x256xf32>
    %convert_element_type3A_281 = arith.truncf %sub3A_280 : vector<256x256xf32> to vector<256x256xbf16>
    %dot_general3A_282 = arith.constant dense<0.000000e+00> : vector<1024x256xf32>
    %dot_general3A_283 = tpu.matmul %convert_element_type3A_274, %convert_element_type3A_278, %dot_general3A_282 {dimension_numbers = #tpu.dot_dimension_numbers<[1], [0], [0], [1], [0, 0, 1, 1], [], []>, transpose_lhs_hint = false} : vector<1024x256xbf16>, vector<256x256xbf16>, vector<1024x256xf32> -> vector<1024x256xf32>
    %dot_general3A_284 = arith.constant dense<0.000000e+00> : vector<1024x256xf32>
    %dot_general3A_285 = tpu.matmul %convert_element_type3A_277, %convert_element_type3A_278, %dot_general3A_284 {dimension_numbers = #tpu.dot_dimension_numbers<[1], [0], [0], [1], [0, 0, 1, 1], [], []>, transpose_lhs_hint = false} : vector<1024x256xbf16>, vector<256x256xbf16>, vector<1024x256xf32> -> vector<1024x256xf32>
    %add3A_286 = arith.addf %dot_general3A_283, %dot_general3A_285 : vector<1024x256xf32>
    %dot_general3A_287 = arith.constant dense<0.000000e+00> : vector<1024x256xf32>
    %dot_general3A_288 = tpu.matmul %convert_element_type3A_274, %convert_element_type3A_281, %dot_general3A_287 {dimension_numbers = #tpu.dot_dimension_numbers<[1], [0], [0], [1], [0, 0, 1, 1], [], []>, transpose_lhs_hint = false} : vector<1024x256xbf16>, vector<256x256xbf16>, vector<1024x256xf32> -> vector<1024x256xf32>
    %add3A_289 = arith.addf %add3A_286, %dot_general3A_288 : vector<1024x256xf32>
    %get3A_290 = arith.constant 0 : index
    %get3A_291 = arith.constant 0 : index
    %get3A_292 = vector.load %arg21[%get3A_290, %get3A_291] : memref<1x256xf32, #tpu.memory_space<vmem>>, vector<1x256xf32>
    %add3A_293 = vector.broadcast %get3A_292 : vector<1x256xf32> to vector<1024x256xf32>
    %add3A_294 = arith.addf %add3A_289, %add3A_293 : vector<1024x256xf32>
    %max3A_295 = arith.constant 0.000000e+00 : f32
    %max3A_296 = vector.broadcast %max3A_295 : f32 to vector<1024x256xf32>
    %max3A_297 = arith.maximumf %add3A_294, %max3A_296 : vector<1024x256xf32>
    %get3A_298 = arith.constant 0 : index
    %get3A_299 = arith.constant 0 : index
    %get3A_300 = vector.load %arg22[%get3A_298, %get3A_299] : memref<256x256xf32, #tpu.memory_space<vmem>>, vector<256x256xf32>
    %convert_element_type3A_301 = arith.truncf %max3A_297 : vector<1024x256xf32> to vector<1024x256xbf16>
    %convert_element_type3A_302 = arith.extf %convert_element_type3A_301 : vector<1024x256xbf16> to vector<1024x256xf32>
    %sub3A_303 = arith.subf %max3A_297, %convert_element_type3A_302 : vector<1024x256xf32>
    %convert_element_type3A_304 = arith.truncf %sub3A_303 : vector<1024x256xf32> to vector<1024x256xbf16>
    %convert_element_type3A_305 = arith.truncf %get3A_300 : vector<256x256xf32> to vector<256x256xbf16>
    %convert_element_type3A_306 = arith.extf %convert_element_type3A_305 : vector<256x256xbf16> to vector<256x256xf32>
    %sub3A_307 = arith.subf %get3A_300, %convert_element_type3A_306 : vector<256x256xf32>
    %convert_element_type3A_308 = arith.truncf %sub3A_307 : vector<256x256xf32> to vector<256x256xbf16>
    %dot_general3A_309 = arith.constant dense<0.000000e+00> : vector<1024x256xf32>
    %dot_general3A_310 = tpu.matmul %convert_element_type3A_301, %convert_element_type3A_305, %dot_general3A_309 {dimension_numbers = #tpu.dot_dimension_numbers<[1], [0], [0], [1], [0, 0, 1, 1], [], []>, transpose_lhs_hint = false} : vector<1024x256xbf16>, vector<256x256xbf16>, vector<1024x256xf32> -> vector<1024x256xf32>
    %dot_general3A_311 = arith.constant dense<0.000000e+00> : vector<1024x256xf32>
    %dot_general3A_312 = tpu.matmul %convert_element_type3A_304, %convert_element_type3A_305, %dot_general3A_311 {dimension_numbers = #tpu.dot_dimension_numbers<[1], [0], [0], [1], [0, 0, 1, 1], [], []>, transpose_lhs_hint = false} : vector<1024x256xbf16>, vector<256x256xbf16>, vector<1024x256xf32> -> vector<1024x256xf32>
    %add3A_313 = arith.addf %dot_general3A_310, %dot_general3A_312 : vector<1024x256xf32>
    %dot_general3A_314 = arith.constant dense<0.000000e+00> : vector<1024x256xf32>
    %dot_general3A_315 = tpu.matmul %convert_element_type3A_301, %convert_element_type3A_308, %dot_general3A_314 {dimension_numbers = #tpu.dot_dimension_numbers<[1], [0], [0], [1], [0, 0, 1, 1], [], []>, transpose_lhs_hint = false} : vector<1024x256xbf16>, vector<256x256xbf16>, vector<1024x256xf32> -> vector<1024x256xf32>
    %add3A_316 = arith.addf %add3A_313, %dot_general3A_315 : vector<1024x256xf32>
    %get3A_317 = arith.constant 0 : index
    %get3A_318 = arith.constant 0 : index
    %get3A_319 = vector.load %arg23[%get3A_317, %get3A_318] : memref<1x256xf32, #tpu.memory_space<vmem>>, vector<1x256xf32>
    %add3A_320 = vector.broadcast %get3A_319 : vector<1x256xf32> to vector<1024x256xf32>
    %add3A_321 = arith.addf %add3A_316, %add3A_320 : vector<1024x256xf32>
    %max3A_322 = arith.constant 0.000000e+00 : f32
    %max3A_323 = vector.broadcast %max3A_322 : f32 to vector<1024x256xf32>
    %max3A_324 = arith.maximumf %add3A_321, %max3A_323 : vector<1024x256xf32>
    %get3A_325 = arith.constant 0 : index
    %get3A_326 = arith.constant 0 : index
    %get3A_327 = vector.load %arg24[%get3A_325, %get3A_326] : memref<256x256xf32, #tpu.memory_space<vmem>>, vector<256x256xf32>
    %convert_element_type3A_328 = arith.truncf %max3A_324 : vector<1024x256xf32> to vector<1024x256xbf16>
    %convert_element_type3A_329 = arith.extf %convert_element_type3A_328 : vector<1024x256xbf16> to vector<1024x256xf32>
    %sub3A_330 = arith.subf %max3A_324, %convert_element_type3A_329 : vector<1024x256xf32>
    %convert_element_type3A_331 = arith.truncf %sub3A_330 : vector<1024x256xf32> to vector<1024x256xbf16>
    %convert_element_type3A_332 = arith.truncf %get3A_327 : vector<256x256xf32> to vector<256x256xbf16>
    %convert_element_type3A_333 = arith.extf %convert_element_type3A_332 : vector<256x256xbf16> to vector<256x256xf32>
    %sub3A_334 = arith.subf %get3A_327, %convert_element_type3A_333 : vector<256x256xf32>
    %convert_element_type3A_335 = arith.truncf %sub3A_334 : vector<256x256xf32> to vector<256x256xbf16>
    %dot_general3A_336 = arith.constant dense<0.000000e+00> : vector<1024x256xf32>
    %dot_general3A_337 = tpu.matmul %convert_element_type3A_328, %convert_element_type3A_332, %dot_general3A_336 {dimension_numbers = #tpu.dot_dimension_numbers<[1], [0], [0], [1], [0, 0, 1, 1], [], []>, transpose_lhs_hint = false} : vector<1024x256xbf16>, vector<256x256xbf16>, vector<1024x256xf32> -> vector<1024x256xf32>
    %dot_general3A_338 = arith.constant dense<0.000000e+00> : vector<1024x256xf32>
    %dot_general3A_339 = tpu.matmul %convert_element_type3A_331, %convert_element_type3A_332, %dot_general3A_338 {dimension_numbers = #tpu.dot_dimension_numbers<[1], [0], [0], [1], [0, 0, 1, 1], [], []>, transpose_lhs_hint = false} : vector<1024x256xbf16>, vector<256x256xbf16>, vector<1024x256xf32> -> vector<1024x256xf32>
    %add3A_340 = arith.addf %dot_general3A_337, %dot_general3A_339 : vector<1024x256xf32>
    %dot_general3A_341 = arith.constant dense<0.000000e+00> : vector<1024x256xf32>
    %dot_general3A_342 = tpu.matmul %convert_element_type3A_328, %convert_element_type3A_335, %dot_general3A_341 {dimension_numbers = #tpu.dot_dimension_numbers<[1], [0], [0], [1], [0, 0, 1, 1], [], []>, transpose_lhs_hint = false} : vector<1024x256xbf16>, vector<256x256xbf16>, vector<1024x256xf32> -> vector<1024x256xf32>
    %add3A_343 = arith.addf %add3A_340, %dot_general3A_342 : vector<1024x256xf32>
    %get3A_344 = arith.constant 0 : index
    %get3A_345 = arith.constant 0 : index
    %get3A_346 = vector.load %arg25[%get3A_344, %get3A_345] : memref<1x256xf32, #tpu.memory_space<vmem>>, vector<1x256xf32>
    %add3A_347 = vector.broadcast %get3A_346 : vector<1x256xf32> to vector<1024x256xf32>
    %add3A_348 = arith.addf %add3A_343, %add3A_347 : vector<1024x256xf32>
    %max3A_349 = arith.constant 0.000000e+00 : f32
    %max3A_350 = vector.broadcast %max3A_349 : f32 to vector<1024x256xf32>
    %max3A_351 = arith.maximumf %add3A_348, %max3A_350 : vector<1024x256xf32>
    %get3A_352 = arith.constant 0 : index
    %get3A_353 = arith.constant 0 : index
    %get3A_354 = vector.load %arg26[%get3A_352, %get3A_353] : memref<256x256xf32, #tpu.memory_space<vmem>>, vector<256x256xf32>
    %convert_element_type3A_355 = arith.truncf %max3A_351 : vector<1024x256xf32> to vector<1024x256xbf16>
    %convert_element_type3A_356 = arith.extf %convert_element_type3A_355 : vector<1024x256xbf16> to vector<1024x256xf32>
    %sub3A_357 = arith.subf %max3A_351, %convert_element_type3A_356 : vector<1024x256xf32>
    %convert_element_type3A_358 = arith.truncf %sub3A_357 : vector<1024x256xf32> to vector<1024x256xbf16>
    %convert_element_type3A_359 = arith.truncf %get3A_354 : vector<256x256xf32> to vector<256x256xbf16>
    %convert_element_type3A_360 = arith.extf %convert_element_type3A_359 : vector<256x256xbf16> to vector<256x256xf32>
    %sub3A_361 = arith.subf %get3A_354, %convert_element_type3A_360 : vector<256x256xf32>
    %convert_element_type3A_362 = arith.truncf %sub3A_361 : vector<256x256xf32> to vector<256x256xbf16>
    %dot_general3A_363 = arith.constant dense<0.000000e+00> : vector<1024x256xf32>
    %dot_general3A_364 = tpu.matmul %convert_element_type3A_355, %convert_element_type3A_359, %dot_general3A_363 {dimension_numbers = #tpu.dot_dimension_numbers<[1], [0], [0], [1], [0, 0, 1, 1], [], []>, transpose_lhs_hint = false} : vector<1024x256xbf16>, vector<256x256xbf16>, vector<1024x256xf32> -> vector<1024x256xf32>
    %dot_general3A_365 = arith.constant dense<0.000000e+00> : vector<1024x256xf32>
    %dot_general3A_366 = tpu.matmul %convert_element_type3A_358, %convert_element_type3A_359, %dot_general3A_365 {dimension_numbers = #tpu.dot_dimension_numbers<[1], [0], [0], [1], [0, 0, 1, 1], [], []>, transpose_lhs_hint = false} : vector<1024x256xbf16>, vector<256x256xbf16>, vector<1024x256xf32> -> vector<1024x256xf32>
    %add3A_367 = arith.addf %dot_general3A_364, %dot_general3A_366 : vector<1024x256xf32>
    %dot_general3A_368 = arith.constant dense<0.000000e+00> : vector<1024x256xf32>
    %dot_general3A_369 = tpu.matmul %convert_element_type3A_355, %convert_element_type3A_362, %dot_general3A_368 {dimension_numbers = #tpu.dot_dimension_numbers<[1], [0], [0], [1], [0, 0, 1, 1], [], []>, transpose_lhs_hint = false} : vector<1024x256xbf16>, vector<256x256xbf16>, vector<1024x256xf32> -> vector<1024x256xf32>
    %add3A_370 = arith.addf %add3A_367, %dot_general3A_369 : vector<1024x256xf32>
    %get3A_371 = arith.constant 0 : index
    %get3A_372 = arith.constant 0 : index
    %get3A_373 = vector.load %arg27[%get3A_371, %get3A_372] : memref<1x256xf32, #tpu.memory_space<vmem>>, vector<1x256xf32>
    %add3A_374 = vector.broadcast %get3A_373 : vector<1x256xf32> to vector<1024x256xf32>
    %add3A_375 = arith.addf %add3A_370, %add3A_374 : vector<1024x256xf32>
    %get3A_376 = arith.constant 0 : index
    %get3A_377 = arith.constant 0 : index
    %get3A_378 = vector.load %arg28[%get3A_376, %get3A_377] : memref<256x128xf32, #tpu.memory_space<vmem>>, vector<256x128xf32>
    %convert_element_type3A_379 = arith.truncf %add3A_375 : vector<1024x256xf32> to vector<1024x256xbf16>
    %convert_element_type3A_380 = arith.extf %convert_element_type3A_379 : vector<1024x256xbf16> to vector<1024x256xf32>
    %sub3A_381 = arith.subf %add3A_375, %convert_element_type3A_380 : vector<1024x256xf32>
    %convert_element_type3A_382 = arith.truncf %sub3A_381 : vector<1024x256xf32> to vector<1024x256xbf16>
    %convert_element_type3A_383 = arith.truncf %get3A_378 : vector<256x128xf32> to vector<256x128xbf16>
    %convert_element_type3A_384 = arith.extf %convert_element_type3A_383 : vector<256x128xbf16> to vector<256x128xf32>
    %sub3A_385 = arith.subf %get3A_378, %convert_element_type3A_384 : vector<256x128xf32>
    %convert_element_type3A_386 = arith.truncf %sub3A_385 : vector<256x128xf32> to vector<256x128xbf16>
    %dot_general3A_387 = arith.constant dense<0.000000e+00> : vector<1024x128xf32>
    %dot_general3A_388 = tpu.matmul %convert_element_type3A_379, %convert_element_type3A_383, %dot_general3A_387 {dimension_numbers = #tpu.dot_dimension_numbers<[1], [0], [0], [1], [0, 0, 1, 1], [], []>, transpose_lhs_hint = false} : vector<1024x256xbf16>, vector<256x128xbf16>, vector<1024x128xf32> -> vector<1024x128xf32>
    %dot_general3A_389 = arith.constant dense<0.000000e+00> : vector<1024x128xf32>
    %dot_general3A_390 = tpu.matmul %convert_element_type3A_382, %convert_element_type3A_383, %dot_general3A_389 {dimension_numbers = #tpu.dot_dimension_numbers<[1], [0], [0], [1], [0, 0, 1, 1], [], []>, transpose_lhs_hint = false} : vector<1024x256xbf16>, vector<256x128xbf16>, vector<1024x128xf32> -> vector<1024x128xf32>
    %add3A_391 = arith.addf %dot_general3A_388, %dot_general3A_390 : vector<1024x128xf32>
    %dot_general3A_392 = arith.constant dense<0.000000e+00> : vector<1024x128xf32>
    %dot_general3A_393 = tpu.matmul %convert_element_type3A_379, %convert_element_type3A_386, %dot_general3A_392 {dimension_numbers = #tpu.dot_dimension_numbers<[1], [0], [0], [1], [0, 0, 1, 1], [], []>, transpose_lhs_hint = false} : vector<1024x256xbf16>, vector<256x128xbf16>, vector<1024x128xf32> -> vector<1024x128xf32>
    %add3A_394 = arith.addf %add3A_391, %dot_general3A_393 : vector<1024x128xf32>
    %get3A_395 = arith.constant 0 : index
    %get3A_396 = arith.constant 0 : index
    %get3A_397 = vector.load %arg30[%get3A_395, %get3A_396] : memref<1x128xf32, #tpu.memory_space<vmem>>, vector<1x128xf32>
    %add3A_398 = vector.broadcast %get3A_397 : vector<1x128xf32> to vector<1024x128xf32>
    %add3A_399 = arith.addf %add3A_394, %add3A_398 : vector<1024x128xf32>
    %get3A_400 = arith.constant 0 : index
    %get3A_401 = arith.constant 0 : index
    %get3A_402 = vector.load %arg29[%get3A_400, %get3A_401] : memref<54x128xf32, #tpu.memory_space<vmem>>, vector<54x128xf32>
    %convert_element_type3A_403 = arith.truncf %concatenate3A_118 : vector<1024x54xf32> to vector<1024x54xbf16>
    %convert_element_type3A_404 = arith.extf %convert_element_type3A_403 : vector<1024x54xbf16> to vector<1024x54xf32>
    %sub3A_405 = arith.subf %concatenate3A_118, %convert_element_type3A_404 : vector<1024x54xf32>
    %convert_element_type3A_406 = arith.truncf %sub3A_405 : vector<1024x54xf32> to vector<1024x54xbf16>
    %convert_element_type3A_407 = arith.truncf %get3A_402 : vector<54x128xf32> to vector<54x128xbf16>
    %convert_element_type3A_408 = arith.extf %convert_element_type3A_407 : vector<54x128xbf16> to vector<54x128xf32>
    %sub3A_409 = arith.subf %get3A_402, %convert_element_type3A_408 : vector<54x128xf32>
    %convert_element_type3A_410 = arith.truncf %sub3A_409 : vector<54x128xf32> to vector<54x128xbf16>
    %dot_general3A_411 = arith.constant dense<0.000000e+00> : vector<1024x128xf32>
    %dot_general3A_412 = tpu.matmul %convert_element_type3A_403, %convert_element_type3A_407, %dot_general3A_411 {dimension_numbers = #tpu.dot_dimension_numbers<[1], [0], [0], [1], [0, 0, 1, 1], [], []>, transpose_lhs_hint = false} : vector<1024x54xbf16>, vector<54x128xbf16>, vector<1024x128xf32> -> vector<1024x128xf32>
    %dot_general3A_413 = arith.constant dense<0.000000e+00> : vector<1024x128xf32>
    %dot_general3A_414 = tpu.matmul %convert_element_type3A_406, %convert_element_type3A_407, %dot_general3A_413 {dimension_numbers = #tpu.dot_dimension_numbers<[1], [0], [0], [1], [0, 0, 1, 1], [], []>, transpose_lhs_hint = false} : vector<1024x54xbf16>, vector<54x128xbf16>, vector<1024x128xf32> -> vector<1024x128xf32>
    %add3A_415 = arith.addf %dot_general3A_412, %dot_general3A_414 : vector<1024x128xf32>
    %dot_general3A_416 = arith.constant dense<0.000000e+00> : vector<1024x128xf32>
    %dot_general3A_417 = tpu.matmul %convert_element_type3A_403, %convert_element_type3A_410, %dot_general3A_416 {dimension_numbers = #tpu.dot_dimension_numbers<[1], [0], [0], [1], [0, 0, 1, 1], [], []>, transpose_lhs_hint = false} : vector<1024x54xbf16>, vector<54x128xbf16>, vector<1024x128xf32> -> vector<1024x128xf32>
    %add3A_418 = arith.addf %add3A_415, %dot_general3A_417 : vector<1024x128xf32>
    %add3A_419 = arith.addf %add3A_399, %add3A_418 : vector<1024x128xf32>
    %max3A_420 = arith.constant 0.000000e+00 : f32
    %max3A_421 = vector.broadcast %max3A_420 : f32 to vector<1024x128xf32>
    %max3A_422 = arith.maximumf %add3A_419, %max3A_421 : vector<1024x128xf32>
    %get3A_423 = arith.constant 0 : index
    %get3A_424 = arith.constant 0 : index
    %get3A_425 = vector.load %arg31[%get3A_423, %get3A_424] : memref<128x3xf32, #tpu.memory_space<vmem>>, vector<128x3xf32>
    %convert_element_type3A_426 = arith.truncf %max3A_422 : vector<1024x128xf32> to vector<1024x128xbf16>
    %convert_element_type3A_427 = arith.extf %convert_element_type3A_426 : vector<1024x128xbf16> to vector<1024x128xf32>
    %sub3A_428 = arith.subf %max3A_422, %convert_element_type3A_427 : vector<1024x128xf32>
    %convert_element_type3A_429 = arith.truncf %sub3A_428 : vector<1024x128xf32> to vector<1024x128xbf16>
    %convert_element_type3A_430 = arith.truncf %get3A_425 : vector<128x3xf32> to vector<128x3xbf16>
    %convert_element_type3A_431 = arith.extf %convert_element_type3A_430 : vector<128x3xbf16> to vector<128x3xf32>
    %sub3A_432 = arith.subf %get3A_425, %convert_element_type3A_431 : vector<128x3xf32>
    %convert_element_type3A_433 = arith.truncf %sub3A_432 : vector<128x3xf32> to vector<128x3xbf16>
    %dot_general3A_434 = arith.constant dense<0.000000e+00> : vector<1024x3xf32>
    %dot_general3A_435 = tpu.matmul %convert_element_type3A_426, %convert_element_type3A_430, %dot_general3A_434 {dimension_numbers = #tpu.dot_dimension_numbers<[1], [0], [0], [1], [0, 0, 1, 1], [], []>, transpose_lhs_hint = false} : vector<1024x128xbf16>, vector<128x3xbf16>, vector<1024x3xf32> -> vector<1024x3xf32>
    %dot_general3A_436 = arith.constant dense<0.000000e+00> : vector<1024x3xf32>
    %dot_general3A_437 = tpu.matmul %convert_element_type3A_429, %convert_element_type3A_430, %dot_general3A_436 {dimension_numbers = #tpu.dot_dimension_numbers<[1], [0], [0], [1], [0, 0, 1, 1], [], []>, transpose_lhs_hint = false} : vector<1024x128xbf16>, vector<128x3xbf16>, vector<1024x3xf32> -> vector<1024x3xf32>
    %add3A_438 = arith.addf %dot_general3A_435, %dot_general3A_437 : vector<1024x3xf32>
    %dot_general3A_439 = arith.constant dense<0.000000e+00> : vector<1024x3xf32>
    %dot_general3A_440 = tpu.matmul %convert_element_type3A_426, %convert_element_type3A_433, %dot_general3A_439 {dimension_numbers = #tpu.dot_dimension_numbers<[1], [0], [0], [1], [0, 0, 1, 1], [], []>, transpose_lhs_hint = false} : vector<1024x128xbf16>, vector<128x3xbf16>, vector<1024x3xf32> -> vector<1024x3xf32>
    %add3A_441 = arith.addf %add3A_438, %dot_general3A_440 : vector<1024x3xf32>
    %get3A_442 = arith.constant 0 : index
    %get3A_443 = arith.constant 0 : index
    %get3A_444 = vector.load %arg32[%get3A_442, %get3A_443] : memref<1x3xf32, #tpu.memory_space<vmem>>, vector<1x3xf32>
    %add3A_445 = vector.broadcast %get3A_444 : vector<1x3xf32> to vector<1024x3xf32>
    %add3A_446 = arith.addf %add3A_441, %add3A_445 : vector<1024x3xf32>
    %logistic3A = arith.negf %add3A_446 : vector<1024x3xf32>
    %logistic3A_447 = math.exp %logistic3A : vector<1024x3xf32>
    %logistic3A_448 = arith.constant 1.000000e+00 : f32
    %logistic3A_449 = vector.broadcast %logistic3A_448 : f32 to vector<1024x3xf32>
    %logistic3A_450 = arith.addf %logistic3A_449, %logistic3A_447 : vector<1024x3xf32>
    %logistic3A_451 = arith.divf %logistic3A_449, %logistic3A_450 : vector<1024x3xf32>
    %ge3A = arith.constant 3.200000e+01 : f32
    %ge3A_452 = vector.broadcast %ge3A : f32 to vector<1024x1xf32>
    %ge3A_453 = arith.cmpf oge, %scan3A_17#0, %ge3A_452 : vector<1024x1xf32>
    %eq3A = arith.constant 0.000000e+00 : f32
    %eq3A_454 = vector.broadcast %eq3A : f32 to vector<1024x1xf32>
    %eq3A_455 = arith.cmpf oeq, %scan3A_17#3, %eq3A_454 : vector<1024x1xf32>
    %and3A = arith.andi %ge3A_453, %eq3A_455 : vector<1024x1xi1>
    %convert_element_type3A_456 = arith.extui %and3A : vector<1024x1xi1> to vector<1024x1xi32>
    %convert_element_type3A_457 = arith.sitofp %convert_element_type3A_456 : vector<1024x1xi32> to vector<1024x1xf32>
    %mul3A_458 = vector.broadcast %convert_element_type3A_457 : vector<1024x1xf32> to vector<1024x3xf32>
    %mul3A_459 = arith.mulf %logistic3A_451, %mul3A_458 : vector<1024x3xf32>
    %swap3A = arith.constant 0 : index
    %swap3A_460 = arith.constant 0 : index
    %swap3A_461 = vector.load %arg33[%swap3A, %swap3A_460] : memref<1024x3xf32, #tpu.memory_space<vmem>>, vector<1024x3xf32>
    tpu.vector_store %arg33[%swap3A, %swap3A_460], %mul3A_459 {strides = array<i32>} : memref<1024x3xf32, #tpu.memory_space<vmem>>, vector<1024x3xf32>,
    return
  }
  func.func @transform_0(%arg0: i32) -> (i32, i32) {
    %c0_i32 = arith.constant 0 : i32
    %c0_i32_0 = arith.constant 0 : i32
    return %arg0, %c0_i32 : i32, i32
  }
  func.func @transform_1(%arg0: i32) -> (i32, i32) {
    %c0_i32 = arith.constant 0 : i32
    %c0_i32_0 = arith.constant 0 : i32
    return %arg0, %c0_i32 : i32, i32
  }
  func.func @transform_2(%arg0: i32) -> (i32, i32) {
    %c0_i32 = arith.constant 0 : i32
    %c0_i32_0 = arith.constant 0 : i32
    %c0_i32_1 = arith.constant 0 : i32
    return %c0_i32, %c0_i32_0 : i32, i32
  }
  func.func @transform_3(%arg0: i32) -> (i32, i32) {
    %c0_i32 = arith.constant 0 : i32
    %c0_i32_0 = arith.constant 0 : i32
    %c0_i32_1 = arith.constant 0 : i32
    return %c0_i32, %c0_i32_0 : i32, i32
  }
  func.func @transform_4(%arg0: i32) -> (i32, i32) {
    %c0_i32 = arith.constant 0 : i32
    %c0_i32_0 = arith.constant 0 : i32
    %c0_i32_1 = arith.constant 0 : i32
    return %c0_i32, %c0_i32_0 : i32, i32
  }
  func.func @transform_5(%arg0: i32) -> (i32, i32) {
    %c0_i32 = arith.constant 0 : i32
    %c0_i32_0 = arith.constant 0 : i32
    %c0_i32_1 = arith.constant 0 : i32
    return %c0_i32, %c0_i32_0 : i32, i32
  }
  func.func @transform_6(%arg0: i32) -> (i32, i32) {
    %c0_i32 = arith.constant 0 : i32
    %c0_i32_0 = arith.constant 0 : i32
    %c0_i32_1 = arith.constant 0 : i32
    return %c0_i32, %c0_i32_0 : i32, i32
  }
  func.func @transform_7(%arg0: i32) -> (i32, i32) {
    %c0_i32 = arith.constant 0 : i32
    %c0_i32_0 = arith.constant 0 : i32
    %c0_i32_1 = arith.constant 0 : i32
    return %c0_i32, %c0_i32_0 : i32, i32
  }
  func.func @transform_8(%arg0: i32) -> (i32, i32) {
    %c0_i32 = arith.constant 0 : i32
    %c0_i32_0 = arith.constant 0 : i32
    %c0_i32_1 = arith.constant 0 : i32
    return %c0_i32, %c0_i32_0 : i32, i32
  }
  func.func @transform_9(%arg0: i32) -> (i32, i32) {
    %c0_i32 = arith.constant 0 : i32
    %c0_i32_0 = arith.constant 0 : i32
    %c0_i32_1 = arith.constant 0 : i32
    return %c0_i32, %c0_i32_0 : i32, i32
  }
  func.func @transform_10(%arg0: i32) -> (i32, i32) {
    %c0_i32 = arith.constant 0 : i32
    %c0_i32_0 = arith.constant 0 : i32
    %c0_i32_1 = arith.constant 0 : i32
    return %c0_i32, %c0_i32_0 : i32, i32
  }
  func.func @transform_11(%arg0: i32) -> (i32, i32) {
    %c0_i32 = arith.constant 0 : i32
    %c0_i32_0 = arith.constant 0 : i32
    %c0_i32_1 = arith.constant 0 : i32
    return %c0_i32, %c0_i32_0 : i32, i32
  }
  func.func @transform_12(%arg0: i32) -> (i32, i32) {
    %c0_i32 = arith.constant 0 : i32
    %c0_i32_0 = arith.constant 0 : i32
    %c0_i32_1 = arith.constant 0 : i32
    return %c0_i32, %c0_i32_0 : i32, i32
  }
  func.func @transform_13(%arg0: i32) -> (i32, i32) {
    %c0_i32 = arith.constant 0 : i32
    %c0_i32_0 = arith.constant 0 : i32
    %c0_i32_1 = arith.constant 0 : i32
    return %c0_i32, %c0_i32_0 : i32, i32
  }
  func.func @transform_14(%arg0: i32) -> (i32, i32) {
    %c0_i32 = arith.constant 0 : i32
    %c0_i32_0 = arith.constant 0 : i32
    %c0_i32_1 = arith.constant 0 : i32
    return %c0_i32, %c0_i32_0 : i32, i32
  }
  func.func @transform_15(%arg0: i32) -> (i32, i32) {
    %c0_i32 = arith.constant 0 : i32
    %c0_i32_0 = arith.constant 0 : i32
    %c0_i32_1 = arith.constant 0 : i32
    return %c0_i32, %c0_i32_0 : i32, i32
  }
  func.func @transform_16(%arg0: i32) -> (i32, i32) {
    %c0_i32 = arith.constant 0 : i32
    %c0_i32_0 = arith.constant 0 : i32
    %c0_i32_1 = arith.constant 0 : i32
    return %c0_i32, %c0_i32_0 : i32, i32
  }
  func.func @transform_17(%arg0: i32) -> (i32, i32) {
    %c0_i32 = arith.constant 0 : i32
    %c0_i32_0 = arith.constant 0 : i32
    %c0_i32_1 = arith.constant 0 : i32
    return %c0_i32, %c0_i32_0 : i32, i32
  }
  func.func @transform_18(%arg0: i32) -> (i32, i32) {
    %c0_i32 = arith.constant 0 : i32
    %c0_i32_0 = arith.constant 0 : i32
    %c0_i32_1 = arith.constant 0 : i32
    return %c0_i32, %c0_i32_0 : i32, i32
  }
  func.func @transform_19(%arg0: i32) -> (i32, i32) {
    %c0_i32 = arith.constant 0 : i32
    %c0_i32_0 = arith.constant 0 : i32
    %c0_i32_1 = arith.constant 0 : i32
    return %c0_i32, %c0_i32_0 : i32, i32
  }
  func.func @transform_20(%arg0: i32) -> (i32, i32) {
    %c0_i32 = arith.constant 0 : i32
    %c0_i32_0 = arith.constant 0 : i32
    %c0_i32_1 = arith.constant 0 : i32
    return %c0_i32, %c0_i32_0 : i32, i32
  }
  func.func @transform_21(%arg0: i32) -> (i32, i32) {
    %c0_i32 = arith.constant 0 : i32
    %c0_i32_0 = arith.constant 0 : i32
    %c0_i32_1 = arith.constant 0 : i32
    return %c0_i32, %c0_i32_0 : i32, i32
  }
  func.func @transform_22(%arg0: i32) -> (i32, i32) {
    %c0_i32 = arith.constant 0 : i32
    %c0_i32_0 = arith.constant 0 : i32
    %c0_i32_1 = arith.constant 0 : i32
    return %c0_i32, %c0_i32_0 : i32, i32
  }
  func.func @transform_23(%arg0: i32) -> (i32, i32) {
    %c0_i32 = arith.constant 0 : i32
    %c0_i32_0 = arith.constant 0 : i32
    %c0_i32_1 = arith.constant 0 : i32
    return %c0_i32, %c0_i32_0 : i32, i32
  }
  func.func @transform_24(%arg0: i32) -> (i32, i32) {
    %c0_i32 = arith.constant 0 : i32
    %c0_i32_0 = arith.constant 0 : i32
    %c0_i32_1 = arith.constant 0 : i32
    return %c0_i32, %c0_i32_0 : i32, i32
  }
  func.func @transform_25(%arg0: i32) -> (i32, i32) {
    %c0_i32 = arith.constant 0 : i32
    %c0_i32_0 = arith.constant 0 : i32
    %c0_i32_1 = arith.constant 0 : i32
    return %c0_i32, %c0_i32_0 : i32, i32
  }
  func.func @transform_26(%arg0: i32) -> (i32, i32) {
    %c0_i32 = arith.constant 0 : i32
    %c0_i32_0 = arith.constant 0 : i32
    %c0_i32_1 = arith.constant 0 : i32
    return %c0_i32, %c0_i32_0 : i32, i32
  }
  func.func @transform_27(%arg0: i32) -> (i32, i32) {
    %c0_i32 = arith.constant 0 : i32
    %c0_i32_0 = arith.constant 0 : i32
    %c0_i32_1 = arith.constant 0 : i32
    return %c0_i32, %c0_i32_0 : i32, i32
  }
  func.func @transform_28(%arg0: i32) -> (i32, i32) {
    %c0_i32 = arith.constant 0 : i32
    %c0_i32_0 = arith.constant 0 : i32
    %c0_i32_1 = arith.constant 0 : i32
    return %c0_i32, %c0_i32_0 : i32, i32
  }
  func.func @transform_29(%arg0: i32) -> (i32, i32) {
    %c0_i32 = arith.constant 0 : i32
    %c0_i32_0 = arith.constant 0 : i32
    %c0_i32_1 = arith.constant 0 : i32
    return %c0_i32, %c0_i32_0 : i32, i32
  }
  func.func @transform_30(%arg0: i32) -> (i32, i32) {
    %c0_i32 = arith.constant 0 : i32
    %c0_i32_0 = arith.constant 0 : i32
    %c0_i32_1 = arith.constant 0 : i32
    return %c0_i32, %c0_i32_0 : i32, i32
  }
  func.func @transform_31(%arg0: i32) -> (i32, i32) {
    %c0_i32 = arith.constant 0 : i32
    %c0_i32_0 = arith.constant 0 : i32
    %c0_i32_1 = arith.constant 0 : i32
    return %c0_i32, %c0_i32_0 : i32, i32
  }
  func.func @transform_32(%arg0: i32) -> (i32, i32) {
    %c0_i32 = arith.constant 0 : i32
    %c0_i32_0 = arith.constant 0 : i32
    return %arg0, %c0_i32 : i32, i32
  }
}

</mosaic_0001>

<sc_bundles>
// kernel: gather_offload_async_start.1
scs
__scs_entry_jumppad:
0x0: {  	(pc) =	sbr.rel $0x88, $3  }
0x1: {  	(tag) =	ssettag $0x0;
	lr =	simm.s32 $0x1  }
0x2: {  	[smem:$0x3F87] =	sst lr;
	_ =	strace $0xD0000000  }
0x3: {  	_ = 	snop  }
0x4: {  	_ = 	snop  }
0x5: {  	_ = 	snop  }
0x6: {  	_ = 	snop  }
0x7: {  	_ = 	snop  }
__scs_overlays_trampoline_lowered:
0x8: {  	[smem:$0x3F96] =	sst s0  }
0x9: {  	[smem:$0x3F97] =	sst s1  }
0xa: {  	[smem:$0x3F98] =	sst s2  }
0xb: {  	[smem:$0x3F99] =	sst s3  }
0xc: {  	[smem:$0x3F9A] =	sst s4  }
0xd: {  	[smem:$0x3F9B] =	sst s5  }
0xe: {  	[smem:$0x3F9C] =	sst s6  }
0xf: {  	[smem:$0x3F9D] =	sst s7  }
0x10: {  	[smem:$0x3F9E] =	sst s8  }
0x11: {  	[smem:$0x3F9F] =	sst s9;
	s0 =	simm.s32 @!p0 $0x0  }
0x12: {  	s1 =	sld [smem:$0x3F85];
	s0 =	simm.s32 @p0 $0x1  }
0x13: {  	[smem:$0x3FA0] =	sst s0;
	s0 =	simm.s32 @!p1 $0x0  }
0x14: {  	s2 =	sld [smem:$0x3F84];
	s0 =	simm.s32 @p1 $0x1  }
0x15: {  	[smem:$0x3FA1] =	sst s0;
	s0 =	simm.s32 @!p2 $0x0  }
0x16: {  	s3 =	sld [smem:$0x3FDB];
	s0 =	simm.s32 @p2 $0x1  }
0x17: {  	s4 =	simm.s32 $0x1BF5;
	[smem:$0x3FA3] =	sst s0  }
0x18: {  	s0 =	sld [smem:$0x3F86];
	_ =	swait.ge [sflag:s4], $0x0  }
0x19: {  	s7 =	sld [smem:$0x3F87]  }
0x1a: {  	s8 =	sadd.s32 $0xFFFFE003, lr  }
0x1b: {  	s9 =	sadd.s32 $0xFFFFFEF7, lr;
	s5 =	simm.s32 $0xFFFFFFFF;
	p2 =	slt.u32 s8, $0xFFFFF086  }
0x1c: {  	p1 =	slt.u32 s9, $0xF7A;
	s5 =	simm.s32 @!p2 $0x0  }
0x1d: {  	s5 =	simm.s32 @p1 $0x1;
	p0 =	seq.s32 s7, s2  }
0x1e: {  	s7 =	smul.u32 @!p0 $0xF7A, s2;
	p2 =	seq.s32 @!p0 s5, $0x0  }
0x1f: {  	s9 =	smul.u32 $0xF7A, s1;
	s8 =	simm.s32 @!p0 $0x1BF5;
	p2 =	por !p2, p0  }
0x20: {  	[sflag:s8] =	ssyncset.s32 @!p0 $0xFFFFF086;
	s6 =	sadd.s32 @!p0 s3, s7;
	s7 =	simm.s32 @!p0 $0x108  }
0x21: {  	s3 =	sadd.s32 s3, s9;
	s6 =	sadd.s32 @!p0 $0x88, s6;
	s7 =	simm.s32 @p2 $0x1082  }
0x22: {  	[simem:s7], [sflag:s8] =	dma.local @!p0 [hbm:s6], $0xF7A  }
0x23: {  	s9 =	sor.u32 $0xD0000000, s2;
	s6 =	simm.s32 $0x108;
	_ =	swait.ge @!p0 [sflag:s8], $0x0  }
0x24: {  	s3 =	sadd.s32 $0x88, s3;
	s6 =	simm.s32 @!p1 $0x1082;
	[sflag:s4] =	ssyncset.s32 $0xFFFFF086  }
0x25: {  	[simem:s6], [sflag:s4] =	dma.local [hbm:s3], $0xF7A  }
0x26: {  	[smem:$0x3F87] =	sst s1;
	(tag) =	ssettag s2;
	_ =	strace s9  }
0x27: {  	s1 =	sld [smem:$0x3F97]  }
0x28: {  	s2 =	sld [smem:$0x3F98]  }
0x29: {  	s4 =	sld [smem:$0x3F9A]  }
0x2a: {  	p0 =	seq.s32 s5, $0x0;
	s5 =	sld [smem:$0x3F9B]  }
0x2b: {  	s6 =	sld [smem:$0x3F9C]  }
0x2c: {  	s7 =	sld [smem:$0x3F9D]  }
0x2d: {  	s3 =	simm.s32 $0x108;
	s8 =	sld [smem:$0x3F9E]  }
0x2e: {  	s3 =	simm.s32 @!p0 $0x1082;
	s9 =	sld [smem:$0x3F9F]  }
0x2f: {  	lr =	sadd.s32 s0, s3;
	s0 =	sld [smem:$0x3F96]  }
0x30: {  	s3 =	sld [smem:$0x3F99]  }
0x31: {  	[smem:$0x3FA2] =	sst s10  }
0x32: {  	s10 =	sld [smem:$0x3FA0];
	_ =	sdelay $0x3  }
0x33: {  	p0 =	seq.s32 s10, $0x1;
	s10 =	sld [smem:$0x3FA2];
	_ =	sdelay $0x3  }
0x34: {  	[smem:$0x3FA2] =	sst s10  }
0x35: {  	s10 =	sld [smem:$0x3FA1];
	_ =	sdelay $0x3  }
0x36: {  	p1 =	seq.s32 s10, $0x1;
	s10 =	sld [smem:$0x3FA2];
	_ =	sdelay $0x3  }
0x37: {  	[smem:$0x3FA2] =	sst s10  }
0x38: {  	s10 =	sld [smem:$0x3FA3]  }
0x39: {  	_ = 	snop;
	(pc) =	sbr.ind lr, $3  }
0x3a: {  	_ = 	snop  }
0x3b: {  	_ = 	snop  }
0x3c: {  	p2 =	seq.s32 s10, $0x1;
	s10 =	sld [smem:$0x3FA2]  }
0x3d: {  	_ =	shalt  }
0x3e: {  	_ =	shalt  }
0x3f: {  	_ =	shalt  }
0x40: {  	_ =	shalt  }
0x41: {  	_ =	shalt  }
0x42: {  	_ =	shalt  }
0x43: {  	_ =	shalt  }
0x44: {  	_ =	shalt  }
0x45: {  	_ =	shalt  }
0x46: {  	_ =	shalt  }
0x47: {  	_ =	shalt  }
0x48: {  	_ =	shalt  }
0x49: {  	_ =	shalt  }
0x4a: {  	_ =	shalt  }
0x4b: {  	_ =	shalt  }
0x4c: {  	_ =	shalt  }
0x4d: {  	_ =	shalt  }
0x4e: {  	_ =	shalt  }
0x4f: {  	_ =	shalt  }
0x50: {  	_ =	shalt  }
0x51: {  	_ =	shalt  }
0x52: {  	_ =	shalt  }
0x53: {  	_ =	shalt  }
0x54: {  	_ =	shalt  }
0x55: {  	_ =	shalt  }
0x56: {  	_ =	shalt  }
0x57: {  	_ =	shalt  }
0x58: {  	_ =	shalt  }
0x59: {  	_ =	shalt  }
0x5a: {  	_ =	shalt  }
0x5b: {  	_ =	shalt  }
0x5c: {  	_ =	shalt  }
0x5d: {  	_ =	shalt  }
0x5e: {  	_ =	shalt  }
0x5f: {  	_ =	shalt  }
0x60: {  	_ =	shalt  }
0x61: {  	_ =	shalt  }
0x62: {  	_ =	shalt  }
0x63: {  	_ =	shalt  }
0x64: {  	_ =	shalt  }
0x65: {  	_ =	shalt  }
0x66: {  	_ =	shalt  }
0x67: {  	_ =	shalt  }
0x68: {  	_ =	shalt  }
0x69: {  	_ =	shalt  }
0x6a: {  	_ =	shalt  }
0x6b: {  	_ =	shalt  }
0x6c: {  	_ =	shalt  }
0x6d: {  	_ =	shalt  }
0x6e: {  	_ =	shalt  }
0x6f: {  	_ =	shalt  }
0x70: {  	_ =	shalt  }
0x71: {  	_ =	shalt  }
0x72: {  	_ =	shalt  }
0x73: {  	_ =	shalt  }
0x74: {  	_ =	shalt  }
0x75: {  	_ =	shalt  }
0x76: {  	_ =	shalt  }
0x77: {  	_ =	shalt  }
0x78: {  	_ =	shalt  }
0x79: {  	_ =	shalt  }
0x7a: {  	_ =	shalt  }
0x7b: {  	_ =	shalt  }
0x7c: {  	_ =	shalt  }
0x7d: {  	_ =	shalt  }
0x7e: {  	_ =	shalt  }
0x7f: {  	_ =	shalt  }
0x80: {  	_ =	shalt  }
0x81: {  	_ =	shalt  }
0x82: {  	_ =	shalt  }
0x83: {  	_ =	shalt  }
0x84: {  	_ =	shalt  }
0x85: {  	_ =	shalt  }
0x86: {  	_ =	shalt  }
0x87: {  	_ =	shalt  }
.Lfunc_end0:
.L_simem_size_0:
called_computation.1_lowered:
.L_overlay_start_0:
0x88: {  	s2 =	sld [smem:$0x3FD9]  }
0x89: {  	s3 =	sld [smem:$0x3FFE];
	_ =	sdelay $0x1  }
0x8a: {  	s1 =	srdreg.scid  }
0x8b: {  	s0 =	sand.u32 $0x1, s1  }
0x8c: {  	s17 =	sshll.u32 s0, $0xA;
	s2 =	sadd.s32 s3, s2  }
0x8d: {  	s2 =	sadd.s32 s2, s17  }
0x8e: {  	[smem:$0x3FAE] =	sst s2  }
0x8f: {  	_ = 	snop  }
0x90: {  	s2 =	sld [smem:$0x3FD0];
	(tm) =	ssettm $0x1  }
0x91: {  	s18 =	sld [smem:$0x3FFB];
	_ =	sdelay $0x3  }
0x92: {  	_ =	strace s18  }
0x93: {  	s3 =	sld [smem:$0x3FFC];
	_ =	sdelay $0x3  }
0x94: {  	_ =	strace s3  }
0x95: {  	s3 =	sld [smem:$0x3FFD];
	_ =	sdelay $0x3  }
0x96: {  	_ =	strace s3  }
0x97: {  	_ =	strace $0x8FFFFFFF  }
0x98: {  	s19 =	sld [smem:$0x3FDB];
	_ =	sdelay $0x1  }
0x99: {  	s4 =	simm.s32 $_scs_section_size  }
0x9a: {  	s5 =	simm.s32 $_size__tile_overlayer_lowered;
	s6 =	simm.s32 $_tile_overlayer_lowered  }
0x9b: {  	s22 =	simm.s32 $0x1BFF;
	s21 =	sshll.u32 s6, $0x1;
	s3 =	sadd.s32 s4, s19  }
0x9c: {  	s7 =	simm.s32 $0x0;
	s20 =	sshll.u32 s5, $0x1;
	s5 =	sadd.s32 s21, s3  }
0x9d: {  	[timem:s7], [sflag:s22] =	dma.local [hbm:s5], s20  }
0x9e: {  	_ =	swait.ge [sflag:s22], s20  }
0x9f: {  	s4 =	ssub.s32 $0x0, s20;
	[sflag:s22] =	ssyncset.done $0x0  }
0xa0: {  	[sflag:s22] =	ssyncadd.s32 s4;
	_ =	sdelay $0x1  }
0xa1: {  	s23 =	simm.s32 $0x1B8B  }
0xa2: {  	_ =	swait.ge [sflag:s23], $0x1  }
0xa3: {  	[sflag:s23] =	ssyncset.done $0x0  }
0xa4: {  	s25 =	simm.s32 $0x1B8E;
	s24 =	sld [smem:$0x3FFE];
	[sflag:s23] =	ssyncadd.s32 $0xFFFFFFFF  }
0xa5: {  	s26 =	simm.s32 $execute0_lowered;
	[smem:$0x3FD2] =	sst s25  }
0xa6: {  	s5 =	sshll.u32 s26, $0x1;
	_ =	strace $0x80000046;
	[dreg:$0x1] =	wrdreg $0xFFFFFFFF  }
0xa7: {  	s28 =	simm.s32 $_size_execute0_lowered;
	s3 =	sadd.s32 s3, s5;
	[dreg:$0x0] =	wrdreg $0x0  }
0xa8: {  	s5 =	sshll.u32 s28, $0x1;
	[dreg:$0x2] =	wrdreg s3  }
0xa9: {  	[dreg:$0x3] =	wrdreg s5  }
0xaa: {  	[dreg:$0x4] =	wrdreg $0xC0  }
0xab: {  	_ =	task [dreg:s7], $0x5FFFF  }
0xac: {  	[dreg:$0x1] =	wrdreg $0xFFFFFFFF  }
0xad: {  	[dreg:$0x0] =	wrdreg $0x60  }
0xae: {  	[dreg:$0x2] =	wrdreg s24  }
0xaf: {  	[dreg:$0x3] =	wrdreg s2  }
0xb0: {  	[dreg:$0x4] =	wrdreg $0xA  }
0xb1: {  	_ =	task.clear_ibuf [dreg:s7], $0x5FFFF;
	_ =	strace $0x90000046  }
0xb2: {  	s29 =	simm.s32 $0xA;
	_ =	strace $0x80000048  }
0xb3: {  	_ =	swait.ge [sflag:s29], $0x1  }
0xb4: {  	[sflag:s29] =	ssyncadd.s32 $0xFFFFFFFF  }
0xb5: {  	_ =	strace $0x90000048  }
0xb6: {  	_ =	sfence  }
0xb7: {  	s30 =	sld [smem:$0x0];
	_ =	sdelay $0x2  }
0xb8: {  	s31 =	sshll.u32 s1, $0xD;
	s1 =	sshrl.u32 s1, $0x2  }
0xb9: {  	s3 =	sand.u32 $0x4000, s31;
	s1 =	sadd.s32 s1, s30  }
0xba: {  	s0 =	sor.u32 s3, s0;
	s1 =	sshll.u32 s1, $0x11  }
0xbb: {  	s0 =	sor.u32 s1, s0  }
0xbc: {  	s0 =	sadd.s32 $0x8F2B, s0  }
0xbd: {  	[sflag:s0] =	ssyncadd.remote.s32 $0x1  }
0xbe: {  	_ =	sfence.sel $0xFFFF  }
0xbf: {  	[dreg:$0x0] =	wrdreg $0xFFFFFFFF;
	(pc) =	sbr.abs _section_cstart, $3  }
0xc0: {  	[dreg:$0x1] =	wrdreg $0xFFFFFFFF  }
0xc1: {  	_ =	task.clear_ibuf [dreg:s7], $0x2FFFF;
	_ =	strace $0x9FFFFFFF  }
0xc2: {  	(tm) =	ssettm $0x7FFFFFFF  }
0xc3: {  	_ =	shalt  }
tec
execute0_lowered:
.L_overlay_start_1:
0x0: {  	(tag) =	ssettag $0x1  }
0x1: {  	s7 =	rddreg [dreg:$0x0]  }
0x2: {  	s2 =	rddreg [dreg:$0x1]  }
0x3: {  	s0 =	rddreg [dreg:$0x2]  }
0x4: {  	s1 =	srdreg.scid;
	_ =	strace $0x80000047;
	s4 =	simm.s32 $0x1  }
0x5: {  	s9 =	simm.s32 $0x3;
	s11 =	simm.s32 $0x0;
	s5 =	sshll.u32 s1, $0x4  }
.Ltmp0:
0x6: {  	s1 =	stileid.u32;
	s5 =	sand.u32 $0x10, s5;
	(pc) =	sbr.rel .LBB2_1-.Ltmp0, $4  }
0x7: {  	p0 =	por $0x0, $0x0;
	s3 =	sadd.s32 $0x1C00, s7;
	s6 =	sor.u32 s1, s5  }
0x8: {  	[sflag:s4] =	ssyncpa.u1 $0x0;
	s5 =	simm.s32 $0x2;
	s6 =	sshll.u32 s6, $0x9  }
0x9: {  	s7 =	sadd.s32 $0x41C00, s7;
	[sflag:s5] =	ssyncpa.u1 $0x0;
	s8 =	sadd.s32 $0x200, s6  }
0xa: {  	vm0 =	vmmov $0xff;
	vm1 =	vcmask $0x3F20;
	[sflag:s9] =	ssyncpa.u1 $0x0;
	s10 =	smov.u32 s6;
	s9 =	simm.s32 $0x0  }
.LBB2_7:
0xb: {  	p1 =	slt.u32 s9, $0x2;
	s11 =	sadd.s32 $0x100, s10  }
0xc: {  	s13 =	smov.u32 s6;
	s9 =	sadd.s32 $0x1, s9;
	p2 =	slt.s32 s11, s8  }
0xd: {  	s13 =	smov.u32 @p2 s11;
	p2 =	sne.s32 s9, $0x4  }
.Ltmp1:
0xe: {  	_ = 	snop;
	(pc) =	sbr.rel @!p2 .LBB2_8-.Ltmp1, $4  }
0xf: {  	s12 =	simm.s32 @!p1 $0x3  }
0x10: {  	_ =	swait.ge @!p1 [sflag:s12], $0x8000  }
0x11: {  	p0 =	por !p0, !p0;
	[sflag:s12] =	ssyncset.done @!p1 $0x0  }
0x12: {  	s11 =	smov.u32 s10;
	s10 =	smov.u32 s13;
	[sflag:s12] =	ssyncadd.s32 @!p1 $0xFFFF8000  }
.LBB2_1:
0x13: {  	p1 =	sgt.u32 s9, $0x1  }
0x14: {  	s12 =	sshll.u32 @!p1 s9, $0x8;
	s13 =	sshrl.u32 @!p1 s10, $0x3  }
0x15: {  	s14 =	sand.u32 @!p1 $0x7, s10;
	s12 =	sxor.u32 @!p1 $0x100, s12;
	s13 =	sadd.s32 @!p1 s2, s13  }
0x16: {  	[tilespmem:s12], [sflag:$0x2] =	stream.linear.gather @!p1 [hbm4b:s13+s14], $0x100, $0x38;
	[tilespmem:$0x10200] =	vst v63  }
0x17: {  	p1 =	seq.s32 s9, $0x0  }
0x18: {  	p2 =	seq.s32 @!p1 s9, $0x3  }
0x19: {  	p1 =	por p1, p2  }
.Ltmp2:
0x1a: {  	_ = 	snop;
	(pc) =	sbr.rel @p1 .LBB2_7-.Ltmp2, $1  }
0x1b: {  	_ =	sdelay $0x3  }
0x1c: {  	s12 =	simm.s32 $0x1  }
0x1d: {  	_ =	swait.ge [sflag:s5], $0x100;
	s12 =	simm.s32 @!p0 $0x0  }
0x1e: {  	[sflag:s5] =	ssyncset.done $0x0;
	s14 =	sshll.u32 s12, $0x8  }
0x1f: {  	[sflag:s5] =	ssyncadd.s32 $0xFFFFFF00;
	s13 =	sadd.s32 $0x0, s14  }
0x20: {  	v0 =	vld.msk [tilespmem:s13+$0x0 ss:$0x1], $0xffff;
	_ =	sdelay $0x4  }
0x21: {  	vm2 =	vgt.s32 v0, $0x0  }
0x22: {  	v0 =	vnsel vm2, $0x0, v0  }
0x23: {  	v0 =	vmin.u32 v0, $0x3FFF  }
0x24: {  	v0 =	vshll.u32 v0, $0x4;
	_ =	sdelay $0x2  }
0x25: {  	s12 =	sshll.u32 s12, $0xF  }
0x26: {  	s12 =	sor.u32 $0x200, s12  }
0x27: {  	[tilespmem:s12], [sflag:$0x1] =	stream.indirect_vreg.gather [hbm:s3], $0x80, v0, vm0, $0x38;
	[tilespmem:$0x10200] =	vst v63  }
0x28: {  	s15 =	sadd.s32 $0x10, s14;
	s13 =	sadd.s32 $0x400, s12  }
0x29: {  	[tilespmem:s13], [sflag:$0x1] =	stream.indirect_vreg.gather [hbm:s3], $0x80, v0, vm1, $0x38;
	[tilespmem:$0x10200] =	vst v63  }
0x2a: {  	s16 =	simm.s32 $0x80;
	v0 =	vld.msk [tilespmem:s15+$0x0 ss:$0x1], $0xffff;
	s15 =	smov.u32 s12  }
.LBB2_3:
0x2b: {  	p1 =	sne.s32 s16, $0x3C0;
	_ =	sdelay $0x4  }
0x2c: {  	vm2 =	vgt.s32 v0, $0x0  }
0x2d: {  	v0 =	vnsel vm2, $0x0, v0  }
0x2e: {  	v0 =	vmin.u32 v0, $0x3FFF  }
0x2f: {  	v0 =	vshll.u32 v0, $0x4;
	_ =	sdelay $0x3  }
.Ltmp3:
0x30: {  	s17 =	sshra.s32 s16, $0x2;
	s15 =	sadd.s32 $0x800, s15;
	(pc) =	sbr.rel @p1 .LBB2_3-.Ltmp3, $4  }
0x31: {  	[tilespmem:s15], [sflag:$0x1] =	stream.indirect_vreg.gather [hbm:s3], $0x80, v0, vm0, $0x38;
	[tilespmem:$0x10200] =	vst v63  }
0x32: {  	s17 =	sadd.s32 s17, s14;
	s18 =	sadd.s32 $0x400, s15  }
0x33: {  	[tilespmem:s18], [sflag:$0x1] =	stream.indirect_vreg.gather [hbm:s3], $0x80, v0, vm1, $0x38;
	[tilespmem:$0x10200] =	vst v63  }
0x34: {  	s16 =	sadd.s32 $0x40, s16;
	v0 =	vld.msk [tilespmem:s17+$0x0 ss:$0x1], $0xffff  }
0x35: {  	_ =	sdelay $0x3  }
0x36: {  	vm2 =	vgt.s32 v0, $0x0  }
0x37: {  	v0 =	vnsel vm2, $0x0, v0  }
0x38: {  	v0 =	vmin.u32 v0, $0x3FFF  }
0x39: {  	v0 =	vshll.u32 v0, $0x4;
	_ =	sdelay $0x3  }
0x3a: {  	s14 =	sadd.s32 $0x800, s15  }
0x3b: {  	[tilespmem:s14], [sflag:$0x1] =	stream.indirect_vreg.gather [hbm:s3], $0x80, v0, vm0, $0x38;
	[tilespmem:$0x10200] =	vst v63  }
0x3c: {  	s14 =	sadd.s32 $0x400, s14  }
0x3d: {  	[tilespmem:s14], [sflag:$0x1] =	stream.indirect_vreg.gather [hbm:s3], $0x80, v0, vm1, $0x38;
	[tilespmem:$0x10200] =	vst v63  }
0x3e: {  	s11 =	sshll.u32 s11, $0x4;
	_ =	swait.ge [sflag:s4], $0x8000  }
0x3f: {  	s11 =	sadd.s32 s11, s7;
	[sflag:s4] =	ssyncset.done $0x0  }
0x40: {  	s15 =	sadd.s32 $0x0, s11;
	s14 =	simm.s32 $0x80;
	[sflag:s4] =	ssyncadd.s32 $0xFFFF8000  }
.LBB2_5:
0x41: {  	[hbm:s15] =	stream.linear.scatter [tilespmem:s12], [sflag:$0x3], $0x400, $0x38;
	[tilespmem:$0x10200] =	vst v63  }
0x42: {  	s15 =	smov.u32 s14;
	s12 =	smov.u32 s13;
	p1 =	sne.s32 s14, $0xF80  }
.Ltmp4:
0x43: {  	s14 =	sadd.s32 $0x80, s14;
	(pc) =	sbr.rel @p1 .LBB2_5-.Ltmp4, $2  }
0x44: {  	_ =	sdelay $0x2  }
0x45: {  	s13 =	sadd.s32 $0x400, s13;
	s15 =	sadd.s32 s15, s11  }
.Ltmp5:
0x46: {  	(pc) =	sbr.rel .LBB2_7-.Ltmp5, $2  }
0x47: {  	_ =	sdelay $0x2  }
0x48: {  	[hbm:s15] =	stream.linear.scatter [tilespmem:s12], [sflag:$0x3], $0x400, $0x38;
	[tilespmem:$0x10200] =	vst v63  }
.LBB2_8:
0x49: {  	_ =	sfence.sel $0x180000  }
0x4a: {  	s2 =	simm.s32 $0x2;
	[bflag:$0x0] =	sbarrier.arrive $0xFFFF  }
0x4b: {  	s30 =	simm.s32 $0x3;
	[sflag:s2] =	ssyncpa.u1 $0x1  }
0x4c: {  	s31 =	simm.s32 $0x1;
	[sflag:s30] =	ssyncpa.u1 $0x1  }
0x4d: {  	[sflag:s31] =	ssyncpa.u1 $0x1  }
0x4e: {  	p0 =	sne.s32 s1, $0x0;
	_ =	strace $0x90000047  }
0x4f: {  	s0 =	sadd.s32 @!p0 $0x100000, s0;
	[bflag:$0x2] =	sbarrier.arrive $0xFFFF  }
0x50: {  	[sflag:s0] =	ssyncadd.tile.s32 @!p0 $0x1;
	_ =	shalt  }
.Lfunc_end2:
_tile_overlayer_lowered:
.L_overlay_start_2:
0x51: {  	(tag) =	ssettag $0x2  }
0x52: {  	s0 =	rddreg [dreg:$0x0];
	s2 =	stileid.u32  }
0x53: {  	s1 =	rddreg [dreg:$0x1];
	p0 =	sne.s32 s2, $0x0  }
0x54: {  	s3 =	rddreg [dreg:$0x2];
	[bflag:$0x3] =	sbarrier.arrive $0xFFFF;
	s2 =	simm.s32 @!p0 $0x1C01  }
0x55: {  	[timem:s3], [sflag:s2] =	dma.local @!p0 [hbm:s0], s1  }
0x56: {  	s0 =	simm.s32 @!p0 $0x1  }
0x57: {  	_ =	swait.ge @!p0 [sflag:s0], s1  }
0x58: {  	s1 =	ssub.s32 @!p0 $0x0, s1;
	[sflag:s0] =	ssyncset.done @!p0 $0x0  }
0x59: {  	[sflag:s0] =	ssyncadd.s32 @!p0 s1  }
0x5a: {  	[bflag:$0x3] =	sbarrier.arrive $0xFFFF  }
0x5b: {  	_ =	shalt  }

// kernel: gather_offload_async_start.2
scs
__scs_entry_jumppad:
0x0: {  	(pc) =	sbr.rel $0x88, $3  }
0x1: {  	(tag) =	ssettag $0x0;
	lr =	simm.s32 $0x1  }
0x2: {  	[smem:$0x3F87] =	sst lr;
	_ =	strace $0xD0000000  }
0x3: {  	_ = 	snop  }
0x4: {  	_ = 	snop  }
0x5: {  	_ = 	snop  }
0x6: {  	_ = 	snop  }
0x7: {  	_ = 	snop  }
__scs_overlays_trampoline_lowered:
0x8: {  	[smem:$0x3F96] =	sst s0  }
0x9: {  	[smem:$0x3F97] =	sst s1  }
0xa: {  	[smem:$0x3F98] =	sst s2  }
0xb: {  	[smem:$0x3F99] =	sst s3  }
0xc: {  	[smem:$0x3F9A] =	sst s4  }
0xd: {  	[smem:$0x3F9B] =	sst s5  }
0xe: {  	[smem:$0x3F9C] =	sst s6  }
0xf: {  	[smem:$0x3F9D] =	sst s7  }
0x10: {  	[smem:$0x3F9E] =	sst s8  }
0x11: {  	[smem:$0x3F9F] =	sst s9;
	s0 =	simm.s32 @!p0 $0x0  }
0x12: {  	s1 =	sld [smem:$0x3F85];
	s0 =	simm.s32 @p0 $0x1  }
0x13: {  	[smem:$0x3FA0] =	sst s0;
	s0 =	simm.s32 @!p1 $0x0  }
0x14: {  	s2 =	sld [smem:$0x3F84];
	s0 =	simm.s32 @p1 $0x1  }
0x15: {  	[smem:$0x3FA1] =	sst s0;
	s0 =	simm.s32 @!p2 $0x0  }
0x16: {  	s3 =	sld [smem:$0x3FDB];
	s0 =	simm.s32 @p2 $0x1  }
0x17: {  	s4 =	simm.s32 $0x1BF5;
	[smem:$0x3FA3] =	sst s0  }
0x18: {  	s0 =	sld [smem:$0x3F86];
	_ =	swait.ge [sflag:s4], $0x0  }
0x19: {  	s7 =	sld [smem:$0x3F87]  }
0x1a: {  	s8 =	sadd.s32 $0xFFFFE003, lr  }
0x1b: {  	s9 =	sadd.s32 $0xFFFFFEF7, lr;
	s5 =	simm.s32 $0xFFFFFFFF;
	p2 =	slt.u32 s8, $0xFFFFF086  }
0x1c: {  	p1 =	slt.u32 s9, $0xF7A;
	s5 =	simm.s32 @!p2 $0x0  }
0x1d: {  	s5 =	simm.s32 @p1 $0x1;
	p0 =	seq.s32 s7, s2  }
0x1e: {  	s7 =	smul.u32 @!p0 $0xF7A, s2;
	p2 =	seq.s32 @!p0 s5, $0x0  }
0x1f: {  	s9 =	smul.u32 $0xF7A, s1;
	s8 =	simm.s32 @!p0 $0x1BF5;
	p2 =	por !p2, p0  }
0x20: {  	[sflag:s8] =	ssyncset.s32 @!p0 $0xFFFFF086;
	s6 =	sadd.s32 @!p0 s3, s7;
	s7 =	simm.s32 @!p0 $0x108  }
0x21: {  	s3 =	sadd.s32 s3, s9;
	s6 =	sadd.s32 @!p0 $0x88, s6;
	s7 =	simm.s32 @p2 $0x1082  }
0x22: {  	[simem:s7], [sflag:s8] =	dma.local @!p0 [hbm:s6], $0xF7A  }
0x23: {  	s9 =	sor.u32 $0xD0000000, s2;
	s6 =	simm.s32 $0x108;
	_ =	swait.ge @!p0 [sflag:s8], $0x0  }
0x24: {  	s3 =	sadd.s32 $0x88, s3;
	s6 =	simm.s32 @!p1 $0x1082;
	[sflag:s4] =	ssyncset.s32 $0xFFFFF086  }
0x25: {  	[simem:s6], [sflag:s4] =	dma.local [hbm:s3], $0xF7A  }
0x26: {  	[smem:$0x3F87] =	sst s1;
	(tag) =	ssettag s2;
	_ =	strace s9  }
0x27: {  	s1 =	sld [smem:$0x3F97]  }
0x28: {  	s2 =	sld [smem:$0x3F98]  }
0x29: {  	s4 =	sld [smem:$0x3F9A]  }
0x2a: {  	p0 =	seq.s32 s5, $0x0;
	s5 =	sld [smem:$0x3F9B]  }
0x2b: {  	s6 =	sld [smem:$0x3F9C]  }
0x2c: {  	s7 =	sld [smem:$0x3F9D]  }
0x2d: {  	s3 =	simm.s32 $0x108;
	s8 =	sld [smem:$0x3F9E]  }
0x2e: {  	s3 =	simm.s32 @!p0 $0x1082;
	s9 =	sld [smem:$0x3F9F]  }
0x2f: {  	lr =	sadd.s32 s0, s3;
	s0 =	sld [smem:$0x3F96]  }
0x30: {  	s3 =	sld [smem:$0x3F99]  }
0x31: {  	[smem:$0x3FA2] =	sst s10  }
0x32: {  	s10 =	sld [smem:$0x3FA0];
	_ =	sdelay $0x3  }
0x33: {  	p0 =	seq.s32 s10, $0x1;
	s10 =	sld [smem:$0x3FA2];
	_ =	sdelay $0x3  }
0x34: {  	[smem:$0x3FA2] =	sst s10  }
0x35: {  	s10 =	sld [smem:$0x3FA1];
	_ =	sdelay $0x3  }
0x36: {  	p1 =	seq.s32 s10, $0x1;
	s10 =	sld [smem:$0x3FA2];
	_ =	sdelay $0x3  }
0x37: {  	[smem:$0x3FA2] =	sst s10  }
0x38: {  	s10 =	sld [smem:$0x3FA3]  }
0x39: {  	_ = 	snop;
	(pc) =	sbr.ind lr, $3  }
0x3a: {  	_ = 	snop  }
0x3b: {  	_ = 	snop  }
0x3c: {  	p2 =	seq.s32 s10, $0x1;
	s10 =	sld [smem:$0x3FA2]  }
0x3d: {  	_ =	shalt  }
0x3e: {  	_ =	shalt  }
0x3f: {  	_ =	shalt  }
0x40: {  	_ =	shalt  }
0x41: {  	_ =	shalt  }
0x42: {  	_ =	shalt  }
0x43: {  	_ =	shalt  }
0x44: {  	_ =	shalt  }
0x45: {  	_ =	shalt  }
0x46: {  	_ =	shalt  }
0x47: {  	_ =	shalt  }
0x48: {  	_ =	shalt  }
0x49: {  	_ =	shalt  }
0x4a: {  	_ =	shalt  }
0x4b: {  	_ =	shalt  }
0x4c: {  	_ =	shalt  }
0x4d: {  	_ =	shalt  }
0x4e: {  	_ =	shalt  }
0x4f: {  	_ =	shalt  }
0x50: {  	_ =	shalt  }
0x51: {  	_ =	shalt  }
0x52: {  	_ =	shalt  }
0x53: {  	_ =	shalt  }
0x54: {  	_ =	shalt  }
0x55: {  	_ =	shalt  }
0x56: {  	_ =	shalt  }
0x57: {  	_ =	shalt  }
0x58: {  	_ =	shalt  }
0x59: {  	_ =	shalt  }
0x5a: {  	_ =	shalt  }
0x5b: {  	_ =	shalt  }
0x5c: {  	_ =	shalt  }
0x5d: {  	_ =	shalt  }
0x5e: {  	_ =	shalt  }
0x5f: {  	_ =	shalt  }
0x60: {  	_ =	shalt  }
0x61: {  	_ =	shalt  }
0x62: {  	_ =	shalt  }
0x63: {  	_ =	shalt  }
0x64: {  	_ =	shalt  }
0x65: {  	_ =	shalt  }
0x66: {  	_ =	shalt  }
0x67: {  	_ =	shalt  }
0x68: {  	_ =	shalt  }
0x69: {  	_ =	shalt  }
0x6a: {  	_ =	shalt  }
0x6b: {  	_ =	shalt  }
0x6c: {  	_ =	shalt  }
0x6d: {  	_ =	shalt  }
0x6e: {  	_ =	shalt  }
0x6f: {  	_ =	shalt  }
0x70: {  	_ =	shalt  }
0x71: {  	_ =	shalt  }
0x72: {  	_ =	shalt  }
0x73: {  	_ =	shalt  }
0x74: {  	_ =	shalt  }
0x75: {  	_ =	shalt  }
0x76: {  	_ =	shalt  }
0x77: {  	_ =	shalt  }
0x78: {  	_ =	shalt  }
0x79: {  	_ =	shalt  }
0x7a: {  	_ =	shalt  }
0x7b: {  	_ =	shalt  }
0x7c: {  	_ =	shalt  }
0x7d: {  	_ =	shalt  }
0x7e: {  	_ =	shalt  }
0x7f: {  	_ =	shalt  }
0x80: {  	_ =	shalt  }
0x81: {  	_ =	shalt  }
0x82: {  	_ =	shalt  }
0x83: {  	_ =	shalt  }
0x84: {  	_ =	shalt  }
0x85: {  	_ =	shalt  }
0x86: {  	_ =	shalt  }
0x87: {  	_ =	shalt  }
.Lfunc_end0:
.L_simem_size_0:
called_computation.2_lowered:
.L_overlay_start_0:
0x88: {  	s2 =	sld [smem:$0x3FD9]  }
0x89: {  	s3 =	sld [smem:$0x3FFE];
	_ =	sdelay $0x1  }
0x8a: {  	s1 =	srdreg.scid  }
0x8b: {  	s0 =	sand.u32 $0x1, s1  }
0x8c: {  	s16 =	sshll.u32 s0, $0xA;
	s2 =	sadd.s32 s3, s2  }
0x8d: {  	s2 =	sadd.s32 s2, s16  }
0x8e: {  	[smem:$0x3FAE] =	sst s2  }
0x8f: {  	_ = 	snop  }
0x90: {  	(tm) =	ssettm $0x1  }
0x91: {  	s17 =	sld [smem:$0x3FFB];
	_ =	sdelay $0x3  }
0x92: {  	_ =	strace s17  }
0x93: {  	s2 =	sld [smem:$0x3FFC];
	_ =	sdelay $0x3  }
0x94: {  	_ =	strace s2  }
0x95: {  	s2 =	sld [smem:$0x3FFD];
	_ =	sdelay $0x3  }
0x96: {  	_ =	strace s2  }
0x97: {  	_ =	strace $0x8FFFFFFF  }
0x98: {  	s18 =	sld [smem:$0x3FDB];
	_ =	sdelay $0x1  }
0x99: {  	s19 =	simm.s32 $_scs_section_size  }
0x9a: {  	s4 =	simm.s32 $_size__tile_overlayer_lowered;
	s5 =	simm.s32 $_tile_overlayer_lowered  }
0x9b: {  	s22 =	simm.s32 $0x1BFF;
	s21 =	sshll.u32 s5, $0x1;
	s2 =	sadd.s32 s19, s18  }
0x9c: {  	s6 =	simm.s32 $0x0;
	s20 =	sshll.u32 s4, $0x1;
	s4 =	sadd.s32 s21, s2  }
0x9d: {  	[timem:s6], [sflag:s22] =	dma.local [hbm:s4], s20  }
0x9e: {  	_ =	swait.ge [sflag:s22], s20  }
0x9f: {  	s3 =	ssub.s32 $0x0, s20;
	[sflag:s22] =	ssyncset.done $0x0  }
0xa0: {  	[sflag:s22] =	ssyncadd.s32 s3;
	_ =	sdelay $0x1  }
0xa1: {  	s23 =	simm.s32 $0x1B8B  }
0xa2: {  	_ =	swait.ge [sflag:s23], $0x1  }
0xa3: {  	[sflag:s23] =	ssyncset.done $0x0  }
0xa4: {  	s25 =	simm.s32 $0x1B8E;
	s24 =	sld [smem:$0x3FFE];
	[sflag:s23] =	ssyncadd.s32 $0xFFFFFFFF  }
0xa5: {  	s26 =	simm.s32 $execute0_lowered;
	[smem:$0x3FD2] =	sst s25  }
0xa6: {  	s4 =	sshll.u32 s26, $0x1;
	_ =	strace $0x8000004C;
	[dreg:$0x1] =	wrdreg $0xFFFFFFFF  }
0xa7: {  	s28 =	simm.s32 $_size_execute0_lowered;
	s2 =	sadd.s32 s2, s4;
	[dreg:$0x0] =	wrdreg $0x0  }
0xa8: {  	s4 =	sshll.u32 s28, $0x1;
	[dreg:$0x2] =	wrdreg s2  }
0xa9: {  	[dreg:$0x3] =	wrdreg s4  }
0xaa: {  	[dreg:$0x4] =	wrdreg $0xC0  }
0xab: {  	_ =	task [dreg:s6], $0x5FFFF  }
0xac: {  	[dreg:$0x1] =	wrdreg $0xFFFFFFFF  }
0xad: {  	[dreg:$0x0] =	wrdreg $0x60  }
0xae: {  	[dreg:$0x2] =	wrdreg s24  }
0xaf: {  	[dreg:$0x3] =	wrdreg $0x9  }
0xb0: {  	_ =	task.clear_ibuf [dreg:s6], $0x4FFFF;
	_ =	strace $0x9000004C  }
0xb1: {  	s29 =	simm.s32 $0x9;
	_ =	strace $0x8000004E  }
0xb2: {  	_ =	swait.ge [sflag:s29], $0x1  }
0xb3: {  	[sflag:s29] =	ssyncadd.s32 $0xFFFFFFFF  }
0xb4: {  	_ =	strace $0x9000004E  }
0xb5: {  	_ =	sfence  }
0xb6: {  	s30 =	sld [smem:$0x0];
	_ =	sdelay $0x2  }
0xb7: {  	s31 =	sshll.u32 s1, $0xD;
	s1 =	sshrl.u32 s1, $0x2  }
0xb8: {  	s3 =	sand.u32 $0x4000, s31;
	s1 =	sadd.s32 s1, s30  }
0xb9: {  	s0 =	sor.u32 s3, s0;
	s1 =	sshll.u32 s1, $0x11  }
0xba: {  	s0 =	sor.u32 s1, s0  }
0xbb: {  	s0 =	sadd.s32 $0x8F2B, s0  }
0xbc: {  	[sflag:s0] =	ssyncadd.remote.s32 $0x1  }
0xbd: {  	_ =	sfence.sel $0xFFFF  }
0xbe: {  	[dreg:$0x0] =	wrdreg $0xFFFFFFFF;
	(pc) =	sbr.abs _section_cstart, $3  }
0xbf: {  	[dreg:$0x1] =	wrdreg $0xFFFFFFFF  }
0xc0: {  	_ =	task.clear_ibuf [dreg:s6], $0x2FFFF;
	_ =	strace $0x9FFFFFFF  }
0xc1: {  	(tm) =	ssettm $0x7FFFFFFF  }
tec
execute0_lowered:
.L_overlay_start_1:
0x0: {  	(tag) =	ssettag $0x1  }
0x1: {  	s7 =	rddreg [dreg:$0x0]  }
0x2: {  	s0 =	rddreg [dreg:$0x1];
	_ =	strace $0x8000004D  }
0x3: {  	s1 =	srdreg.scid;
	s4 =	simm.s32 $0x1;
	s9 =	simm.s32 $0x3  }
0x4: {  	s11 =	simm.s32 $0x0;
	p0 =	por $0x0, $0x0;
	s5 =	sshll.u32 s1, $0x4  }
.Ltmp0:
0x5: {  	s1 =	stileid.u32;
	s5 =	sand.u32 $0x10, s5;
	(pc) =	sbr.rel .LBB2_1-.Ltmp0, $4  }
0x6: {  	s2 =	sadd.s32 $0x1C00, s7;
	s3 =	sadd.s32 $0x1400, s7;
	s6 =	sor.u32 s1, s5  }
0x7: {  	[sflag:s4] =	ssyncpa.u1 $0x0;
	s5 =	simm.s32 $0x2;
	s6 =	sshll.u32 s6, $0x9  }
0x8: {  	s7 =	sadd.s32 $0x41C00, s7;
	[sflag:s5] =	ssyncpa.u1 $0x0;
	s8 =	sadd.s32 $0x200, s6  }
0x9: {  	vm0 =	vmmov $0xff;
	vm1 =	vcmask $0x3F20;
	[sflag:s9] =	ssyncpa.u1 $0x0;
	s10 =	smov.u32 s6;
	s9 =	simm.s32 $0x0  }
.LBB2_7:
0xa: {  	p1 =	slt.u32 s9, $0x2;
	s11 =	sadd.s32 $0x100, s10  }
0xb: {  	s13 =	smov.u32 s6;
	s9 =	sadd.s32 $0x1, s9;
	p2 =	slt.s32 s11, s8  }
0xc: {  	s13 =	smov.u32 @p2 s11;
	p2 =	sne.s32 s9, $0x4  }
.Ltmp1:
0xd: {  	_ = 	snop;
	(pc) =	sbr.rel @!p2 .LBB2_8-.Ltmp1, $4  }
0xe: {  	s12 =	simm.s32 @!p1 $0x3  }
0xf: {  	_ =	swait.ge @!p1 [sflag:s12], $0x8000  }
0x10: {  	p0 =	por !p0, !p0;
	[sflag:s12] =	ssyncset.done @!p1 $0x0  }
0x11: {  	s11 =	smov.u32 s10;
	s10 =	smov.u32 s13;
	[sflag:s12] =	ssyncadd.s32 @!p1 $0xFFFF8000  }
.LBB2_1:
0x12: {  	p1 =	sgt.u32 s9, $0x1  }
0x13: {  	s12 =	sshll.u32 @!p1 s9, $0x8;
	s13 =	sshrl.u32 @!p1 s10, $0x3  }
0x14: {  	s14 =	sand.u32 @!p1 $0x7, s10;
	s12 =	sxor.u32 @!p1 $0x100, s12;
	s13 =	sadd.s32 @!p1 s3, s13  }
0x15: {  	[tilespmem:s12], [sflag:$0x2] =	stream.linear.gather @!p1 [hbm4b:s13+s14], $0x100, $0x38;
	[tilespmem:$0x10200] =	vst v63  }
0x16: {  	p1 =	seq.s32 s9, $0x0  }
0x17: {  	p2 =	seq.s32 @!p1 s9, $0x3  }
0x18: {  	p1 =	por p1, p2  }
.Ltmp2:
0x19: {  	_ = 	snop;
	(pc) =	sbr.rel @p1 .LBB2_7-.Ltmp2, $1  }
0x1a: {  	_ =	sdelay $0x3  }
0x1b: {  	s12 =	simm.s32 $0x1  }
0x1c: {  	_ =	swait.ge [sflag:s5], $0x100;
	s12 =	simm.s32 @!p0 $0x0  }
0x1d: {  	[sflag:s5] =	ssyncset.done $0x0;
	s14 =	sshll.u32 s12, $0x8  }
0x1e: {  	[sflag:s5] =	ssyncadd.s32 $0xFFFFFF00;
	s13 =	sadd.s32 $0x0, s14  }
0x1f: {  	v0 =	vld.msk [tilespmem:s13+$0x0 ss:$0x1], $0xffff;
	_ =	sdelay $0x4  }
0x20: {  	vm2 =	vgt.s32 v0, $0x0  }
0x21: {  	v0 =	vnsel vm2, $0x0, v0  }
0x22: {  	v0 =	vmin.u32 v0, $0x3FFF  }
0x23: {  	v0 =	vshll.u32 v0, $0x4;
	_ =	sdelay $0x2  }
0x24: {  	s12 =	sshll.u32 s12, $0xF  }
0x25: {  	s12 =	sor.u32 $0x200, s12  }
0x26: {  	[tilespmem:s12], [sflag:$0x1] =	stream.indirect_vreg.gather [hbm:s2], $0x80, v0, vm0, $0x38;
	[tilespmem:$0x10200] =	vst v63  }
0x27: {  	s15 =	sadd.s32 $0x10, s14;
	s13 =	sadd.s32 $0x400, s12  }
0x28: {  	[tilespmem:s13], [sflag:$0x1] =	stream.indirect_vreg.gather [hbm:s2], $0x80, v0, vm1, $0x38;
	[tilespmem:$0x10200] =	vst v63  }
0x29: {  	s16 =	simm.s32 $0x80;
	v0 =	vld.msk [tilespmem:s15+$0x0 ss:$0x1], $0xffff;
	s15 =	smov.u32 s12  }
.LBB2_3:
0x2a: {  	p1 =	sne.s32 s16, $0x3C0;
	_ =	sdelay $0x4  }
0x2b: {  	vm2 =	vgt.s32 v0, $0x0  }
0x2c: {  	v0 =	vnsel vm2, $0x0, v0  }
0x2d: {  	v0 =	vmin.u32 v0, $0x3FFF  }
0x2e: {  	v0 =	vshll.u32 v0, $0x4;
	_ =	sdelay $0x3  }
.Ltmp3:
0x2f: {  	s17 =	sshra.s32 s16, $0x2;
	s15 =	sadd.s32 $0x800, s15;
	(pc) =	sbr.rel @p1 .LBB2_3-.Ltmp3, $4  }
0x30: {  	[tilespmem:s15], [sflag:$0x1] =	stream.indirect_vreg.gather [hbm:s2], $0x80, v0, vm0, $0x38;
	[tilespmem:$0x10200] =	vst v63  }
0x31: {  	s17 =	sadd.s32 s17, s14;
	s18 =	sadd.s32 $0x400, s15  }
0x32: {  	[tilespmem:s18], [sflag:$0x1] =	stream.indirect_vreg.gather [hbm:s2], $0x80, v0, vm1, $0x38;
	[tilespmem:$0x10200] =	vst v63  }
0x33: {  	s16 =	sadd.s32 $0x40, s16;
	v0 =	vld.msk [tilespmem:s17+$0x0 ss:$0x1], $0xffff  }
0x34: {  	_ =	sdelay $0x3  }
0x35: {  	vm2 =	vgt.s32 v0, $0x0  }
0x36: {  	v0 =	vnsel vm2, $0x0, v0  }
0x37: {  	v0 =	vmin.u32 v0, $0x3FFF  }
0x38: {  	v0 =	vshll.u32 v0, $0x4;
	_ =	sdelay $0x3  }
0x39: {  	s14 =	sadd.s32 $0x800, s15  }
0x3a: {  	[tilespmem:s14], [sflag:$0x1] =	stream.indirect_vreg.gather [hbm:s2], $0x80, v0, vm0, $0x38;
	[tilespmem:$0x10200] =	vst v63  }
0x3b: {  	s14 =	sadd.s32 $0x400, s14  }
0x3c: {  	[tilespmem:s14], [sflag:$0x1] =	stream.indirect_vreg.gather [hbm:s2], $0x80, v0, vm1, $0x38;
	[tilespmem:$0x10200] =	vst v63  }
0x3d: {  	s11 =	sshll.u32 s11, $0x4;
	_ =	swait.ge [sflag:s4], $0x8000  }
0x3e: {  	s11 =	sadd.s32 s11, s7;
	[sflag:s4] =	ssyncset.done $0x0  }
0x3f: {  	s15 =	sadd.s32 $0x0, s11;
	s14 =	simm.s32 $0x80;
	[sflag:s4] =	ssyncadd.s32 $0xFFFF8000  }
.LBB2_5:
0x40: {  	[hbm:s15] =	stream.linear.scatter [tilespmem:s12], [sflag:$0x3], $0x400, $0x38;
	[tilespmem:$0x10200] =	vst v63  }
0x41: {  	s15 =	smov.u32 s14;
	s12 =	smov.u32 s13;
	p1 =	sne.s32 s14, $0xF80  }
.Ltmp4:
0x42: {  	s14 =	sadd.s32 $0x80, s14;
	(pc) =	sbr.rel @p1 .LBB2_5-.Ltmp4, $2  }
0x43: {  	_ =	sdelay $0x2  }
0x44: {  	s13 =	sadd.s32 $0x400, s13;
	s15 =	sadd.s32 s15, s11  }
.Ltmp5:
0x45: {  	(pc) =	sbr.rel .LBB2_7-.Ltmp5, $2  }
0x46: {  	_ =	sdelay $0x2  }
0x47: {  	[hbm:s15] =	stream.linear.scatter [tilespmem:s12], [sflag:$0x3], $0x400, $0x38;
	[tilespmem:$0x10200] =	vst v63  }
.LBB2_8:
0x48: {  	_ =	sfence.sel $0x180000  }
0x49: {  	s2 =	simm.s32 $0x2;
	[bflag:$0x0] =	sbarrier.arrive $0xFFFF  }
0x4a: {  	s30 =	simm.s32 $0x3;
	[sflag:s2] =	ssyncpa.u1 $0x1  }
0x4b: {  	s31 =	simm.s32 $0x1;
	[sflag:s30] =	ssyncpa.u1 $0x1  }
0x4c: {  	[sflag:s31] =	ssyncpa.u1 $0x1  }
0x4d: {  	p0 =	sne.s32 s1, $0x0;
	_ =	strace $0x9000004D  }
0x4e: {  	s0 =	sadd.s32 @!p0 $0x100000, s0;
	[bflag:$0x2] =	sbarrier.arrive $0xFFFF  }
0x4f: {  	[sflag:s0] =	ssyncadd.tile.s32 @!p0 $0x1;
	_ =	shalt  }
.Lfunc_end2:
_tile_overlayer_lowered:
.L_overlay_start_2:
0x50: {  	(tag) =	ssettag $0x2  }
0x51: {  	s0 =	rddreg [dreg:$0x0];
	s2 =	stileid.u32  }
0x52: {  	s1 =	rddreg [dreg:$0x1];
	p0 =	sne.s32 s2, $0x0  }
0x53: {  	s3 =	rddreg [dreg:$0x2];
	[bflag:$0x3] =	sbarrier.arrive $0xFFFF;
	s2 =	simm.s32 @!p0 $0x1C01  }
0x54: {  	[timem:s3], [sflag:s2] =	dma.local @!p0 [hbm:s0], s1  }
0x55: {  	s0 =	simm.s32 @!p0 $0x1  }
0x56: {  	_ =	swait.ge @!p0 [sflag:s0], s1  }
0x57: {  	s1 =	ssub.s32 @!p0 $0x0, s1;
	[sflag:s0] =	ssyncset.done @!p0 $0x0  }
0x58: {  	[sflag:s0] =	ssyncadd.s32 @!p0 s1  }
0x59: {  	[bflag:$0x3] =	sbarrier.arrive $0xFFFF  }
0x5a: {  	_ =	shalt  }

// kernel: gather_offload_async_start
scs
__scs_entry_jumppad:
0x0: {  	(pc) =	sbr.rel $0x88, $3  }
0x1: {  	(tag) =	ssettag $0x0;
	lr =	simm.s32 $0x1  }
0x2: {  	[smem:$0x3F87] =	sst lr;
	_ =	strace $0xD0000000  }
0x3: {  	_ = 	snop  }
0x4: {  	_ = 	snop  }
0x5: {  	_ = 	snop  }
0x6: {  	_ = 	snop  }
0x7: {  	_ = 	snop  }
__scs_overlays_trampoline_lowered:
0x8: {  	[smem:$0x3F96] =	sst s0  }
0x9: {  	[smem:$0x3F97] =	sst s1  }
0xa: {  	[smem:$0x3F98] =	sst s2  }
0xb: {  	[smem:$0x3F99] =	sst s3  }
0xc: {  	[smem:$0x3F9A] =	sst s4  }
0xd: {  	[smem:$0x3F9B] =	sst s5  }
0xe: {  	[smem:$0x3F9C] =	sst s6  }
0xf: {  	[smem:$0x3F9D] =	sst s7  }
0x10: {  	[smem:$0x3F9E] =	sst s8  }
0x11: {  	[smem:$0x3F9F] =	sst s9;
	s0 =	simm.s32 @!p0 $0x0  }
0x12: {  	s1 =	sld [smem:$0x3F85];
	s0 =	simm.s32 @p0 $0x1  }
0x13: {  	[smem:$0x3FA0] =	sst s0;
	s0 =	simm.s32 @!p1 $0x0  }
0x14: {  	s2 =	sld [smem:$0x3F84];
	s0 =	simm.s32 @p1 $0x1  }
0x15: {  	[smem:$0x3FA1] =	sst s0;
	s0 =	simm.s32 @!p2 $0x0  }
0x16: {  	s3 =	sld [smem:$0x3FDB];
	s0 =	simm.s32 @p2 $0x1  }
0x17: {  	s4 =	simm.s32 $0x1BF5;
	[smem:$0x3FA3] =	sst s0  }
0x18: {  	s0 =	sld [smem:$0x3F86];
	_ =	swait.ge [sflag:s4], $0x0  }
0x19: {  	s7 =	sld [smem:$0x3F87]  }
0x1a: {  	s8 =	sadd.s32 $0xFFFFE003, lr  }
0x1b: {  	s9 =	sadd.s32 $0xFFFFFEF7, lr;
	s5 =	simm.s32 $0xFFFFFFFF;
	p2 =	slt.u32 s8, $0xFFFFF086  }
0x1c: {  	p1 =	slt.u32 s9, $0xF7A;
	s5 =	simm.s32 @!p2 $0x0  }
0x1d: {  	s5 =	simm.s32 @p1 $0x1;
	p0 =	seq.s32 s7, s2  }
0x1e: {  	s7 =	smul.u32 @!p0 $0xF7A, s2;
	p2 =	seq.s32 @!p0 s5, $0x0  }
0x1f: {  	s9 =	smul.u32 $0xF7A, s1;
	s8 =	simm.s32 @!p0 $0x1BF5;
	p2 =	por !p2, p0  }
0x20: {  	[sflag:s8] =	ssyncset.s32 @!p0 $0xFFFFF086;
	s6 =	sadd.s32 @!p0 s3, s7;
	s7 =	simm.s32 @!p0 $0x108  }
0x21: {  	s3 =	sadd.s32 s3, s9;
	s6 =	sadd.s32 @!p0 $0x88, s6;
	s7 =	simm.s32 @p2 $0x1082  }
0x22: {  	[simem:s7], [sflag:s8] =	dma.local @!p0 [hbm:s6], $0xF7A  }
0x23: {  	s9 =	sor.u32 $0xD0000000, s2;
	s6 =	simm.s32 $0x108;
	_ =	swait.ge @!p0 [sflag:s8], $0x0  }
0x24: {  	s3 =	sadd.s32 $0x88, s3;
	s6 =	simm.s32 @!p1 $0x1082;
	[sflag:s4] =	ssyncset.s32 $0xFFFFF086  }
0x25: {  	[simem:s6], [sflag:s4] =	dma.local [hbm:s3], $0xF7A  }
0x26: {  	[smem:$0x3F87] =	sst s1;
	(tag) =	ssettag s2;
	_ =	strace s9  }
0x27: {  	s1 =	sld [smem:$0x3F97]  }
0x28: {  	s2 =	sld [smem:$0x3F98]  }
0x29: {  	s4 =	sld [smem:$0x3F9A]  }
0x2a: {  	p0 =	seq.s32 s5, $0x0;
	s5 =	sld [smem:$0x3F9B]  }
0x2b: {  	s6 =	sld [smem:$0x3F9C]  }
0x2c: {  	s7 =	sld [smem:$0x3F9D]  }
0x2d: {  	s3 =	simm.s32 $0x108;
	s8 =	sld [smem:$0x3F9E]  }
0x2e: {  	s3 =	simm.s32 @!p0 $0x1082;
	s9 =	sld [smem:$0x3F9F]  }
0x2f: {  	lr =	sadd.s32 s0, s3;
	s0 =	sld [smem:$0x3F96]  }
0x30: {  	s3 =	sld [smem:$0x3F99]  }
0x31: {  	[smem:$0x3FA2] =	sst s10  }
0x32: {  	s10 =	sld [smem:$0x3FA0];
	_ =	sdelay $0x3  }
0x33: {  	p0 =	seq.s32 s10, $0x1;
	s10 =	sld [smem:$0x3FA2];
	_ =	sdelay $0x3  }
0x34: {  	[smem:$0x3FA2] =	sst s10  }
0x35: {  	s10 =	sld [smem:$0x3FA1];
	_ =	sdelay $0x3  }
0x36: {  	p1 =	seq.s32 s10, $0x1;
	s10 =	sld [smem:$0x3FA2];
	_ =	sdelay $0x3  }
0x37: {  	[smem:$0x3FA2] =	sst s10  }
0x38: {  	s10 =	sld [smem:$0x3FA3]  }
0x39: {  	_ = 	snop;
	(pc) =	sbr.ind lr, $3  }
0x3a: {  	_ = 	snop  }
0x3b: {  	_ = 	snop  }
0x3c: {  	p2 =	seq.s32 s10, $0x1;
	s10 =	sld [smem:$0x3FA2]  }
0x3d: {  	_ =	shalt  }
0x3e: {  	_ =	shalt  }
0x3f: {  	_ =	shalt  }
0x40: {  	_ =	shalt  }
0x41: {  	_ =	shalt  }
0x42: {  	_ =	shalt  }
0x43: {  	_ =	shalt  }
0x44: {  	_ =	shalt  }
0x45: {  	_ =	shalt  }
0x46: {  	_ =	shalt  }
0x47: {  	_ =	shalt  }
0x48: {  	_ =	shalt  }
0x49: {  	_ =	shalt  }
0x4a: {  	_ =	shalt  }
0x4b: {  	_ =	shalt  }
0x4c: {  	_ =	shalt  }
0x4d: {  	_ =	shalt  }
0x4e: {  	_ =	shalt  }
0x4f: {  	_ =	shalt  }
0x50: {  	_ =	shalt  }
0x51: {  	_ =	shalt  }
0x52: {  	_ =	shalt  }
0x53: {  	_ =	shalt  }
0x54: {  	_ =	shalt  }
0x55: {  	_ =	shalt  }
0x56: {  	_ =	shalt  }
0x57: {  	_ =	shalt  }
0x58: {  	_ =	shalt  }
0x59: {  	_ =	shalt  }
0x5a: {  	_ =	shalt  }
0x5b: {  	_ =	shalt  }
0x5c: {  	_ =	shalt  }
0x5d: {  	_ =	shalt  }
0x5e: {  	_ =	shalt  }
0x5f: {  	_ =	shalt  }
0x60: {  	_ =	shalt  }
0x61: {  	_ =	shalt  }
0x62: {  	_ =	shalt  }
0x63: {  	_ =	shalt  }
0x64: {  	_ =	shalt  }
0x65: {  	_ =	shalt  }
0x66: {  	_ =	shalt  }
0x67: {  	_ =	shalt  }
0x68: {  	_ =	shalt  }
0x69: {  	_ =	shalt  }
0x6a: {  	_ =	shalt  }
0x6b: {  	_ =	shalt  }
0x6c: {  	_ =	shalt  }
0x6d: {  	_ =	shalt  }
0x6e: {  	_ =	shalt  }
0x6f: {  	_ =	shalt  }
0x70: {  	_ =	shalt  }
0x71: {  	_ =	shalt  }
0x72: {  	_ =	shalt  }
0x73: {  	_ =	shalt  }
0x74: {  	_ =	shalt  }
0x75: {  	_ =	shalt  }
0x76: {  	_ =	shalt  }
0x77: {  	_ =	shalt  }
0x78: {  	_ =	shalt  }
0x79: {  	_ =	shalt  }
0x7a: {  	_ =	shalt  }
0x7b: {  	_ =	shalt  }
0x7c: {  	_ =	shalt  }
0x7d: {  	_ =	shalt  }
0x7e: {  	_ =	shalt  }
0x7f: {  	_ =	shalt  }
0x80: {  	_ =	shalt  }
0x81: {  	_ =	shalt  }
0x82: {  	_ =	shalt  }
0x83: {  	_ =	shalt  }
0x84: {  	_ =	shalt  }
0x85: {  	_ =	shalt  }
0x86: {  	_ =	shalt  }
0x87: {  	_ =	shalt  }
.Lfunc_end0:
.L_simem_size_0:
called_computation_lowered:
.L_overlay_start_0:
0x88: {  	s2 =	sld [smem:$0x3FD9]  }
0x89: {  	s3 =	sld [smem:$0x3FFE];
	_ =	sdelay $0x1  }
0x8a: {  	s1 =	srdreg.scid  }
0x8b: {  	s0 =	sand.u32 $0x1, s1  }
0x8c: {  	s17 =	sshll.u32 s0, $0xA;
	s2 =	sadd.s32 s3, s2  }
0x8d: {  	s2 =	sadd.s32 s2, s17  }
0x8e: {  	[smem:$0x3FAE] =	sst s2  }
0x8f: {  	_ = 	snop  }
0x90: {  	s18 =	sld [smem:$0x3FD0];
	(tm) =	ssettm $0x1  }
0x91: {  	s19 =	sld [smem:$0x3FFB];
	_ =	sdelay $0x3  }
0x92: {  	_ =	strace s19  }
0x93: {  	s2 =	sld [smem:$0x3FFC];
	_ =	sdelay $0x3  }
0x94: {  	_ =	strace s2  }
0x95: {  	s2 =	sld [smem:$0x3FFD];
	_ =	sdelay $0x3  }
0x96: {  	_ =	strace s2  }
0x97: {  	_ =	strace $0x8FFFFFFF  }
0x98: {  	s20 =	sld [smem:$0x3FDB];
	_ =	sdelay $0x1  }
0x99: {  	s4 =	simm.s32 $_scs_section_size  }
0x9a: {  	s5 =	simm.s32 $_size__tile_overlayer_lowered;
	s6 =	simm.s32 $_tile_overlayer_lowered  }
0x9b: {  	s7 =	simm.s32 $0x1BFF;
	s21 =	sshll.u32 s6, $0x1;
	s4 =	sadd.s32 s4, s20  }
0x9c: {  	s22 =	simm.s32 $0x0;
	s5 =	sshll.u32 s5, $0x1;
	s6 =	sadd.s32 s21, s4  }
0x9d: {  	[timem:s22], [sflag:s7] =	dma.local [hbm:s6], s5  }
0x9e: {  	_ =	swait.ge [sflag:s7], s5  }
0x9f: {  	s5 =	ssub.s32 $0x0, s5;
	[sflag:s7] =	ssyncset.done $0x0  }
0xa0: {  	[sflag:s7] =	ssyncadd.s32 s5;
	_ =	sdelay $0x1  }
0xa1: {  	s23 =	simm.s32 $0x1B8B  }
0xa2: {  	_ =	swait.ge [sflag:s23], $0x1  }
0xa3: {  	[sflag:s23] =	ssyncset.done $0x0  }
0xa4: {  	[sflag:s23] =	ssyncadd.s32 $0xFFFFFFFF  }
0xa5: {  	s5 =	sld [smem:$0x0]  }
0xa6: {  	s6 =	sand.u32 $0xFFFFFFFE, s1  }
0xa7: {  	p0 =	sne.s32 s1, s6  }
0xa8: {  	s6 =	sshll.u32 @p0 s6, $0xE  }
0xa9: {  	s6 =	sadd.s32 @p0 $0x11B8D, s6;
	s7 =	sshll.u32 @p0 s5, $0x11  }
0xaa: {  	s6 =	sor.u32 @p0 s7, s6  }
0xab: {  	[sflag:s6] =	ssyncadd.remote.s32 @p0 $0x1;
	_ =	sdelay $0x1  }
0xac: {  	s6 =	simm.s32 @p0 $0x1B8D  }
0xad: {  	_ =	swait.eq @p0 [sflag:s6], $0x1  }
0xae: {  	[sflag:s6] =	ssyncadd.s32 @p0 $0xFFFFFFFF  }
0xaf: {  	s7 =	sshll.u32 @!p0 s1, $0xE  }
0xb0: {  	s7 =	sor.u32 @!p0 $0x4000, s7;
	s6 =	simm.s32 @!p0 $0x1B8D  }
0xb1: {  	s5 =	sshll.u32 @!p0 s5, $0x11;
	s7 =	sadd.s32 @!p0 $0x11B8D, s7;
	_ =	swait.eq @!p0 [sflag:s6], $0x1  }
0xb2: {  	s5 =	sor.u32 @!p0 s5, s7;
	[sflag:s6] =	ssyncadd.s32 @!p0 $0xFFFFFFFF  }
0xb3: {  	s25 =	simm.s32 $0x1B8E;
	s24 =	sld [smem:$0x3FFE];
	[sflag:s5] =	ssyncadd.remote.s32 @!p0 $0x1  }
0xb4: {  	s26 =	simm.s32 $execute0_lowered;
	[smem:$0x3FD2] =	sst s25  }
0xb5: {  	s6 =	sshll.u32 s26, $0x1;
	_ =	strace $0x80000049;
	[dreg:$0x1] =	wrdreg $0xFFFFFFFF  }
0xb6: {  	s28 =	simm.s32 $_size_execute0_lowered;
	s4 =	sadd.s32 s4, s6;
	[dreg:$0x0] =	wrdreg $0x0  }
0xb7: {  	s6 =	sshll.u32 s28, $0x1;
	[dreg:$0x2] =	wrdreg s4  }
0xb8: {  	[dreg:$0x3] =	wrdreg s6  }
0xb9: {  	[dreg:$0x4] =	wrdreg $0xC0  }
0xba: {  	_ =	task [dreg:s22], $0x5FFFF  }
0xbb: {  	[dreg:$0x1] =	wrdreg $0xFFFFFFFF  }
0xbc: {  	[dreg:$0x0] =	wrdreg $0x60  }
0xbd: {  	[dreg:$0x2] =	wrdreg s24  }
0xbe: {  	[dreg:$0x3] =	wrdreg s18  }
0xbf: {  	[dreg:$0x4] =	wrdreg $0x9  }
0xc0: {  	_ =	task.clear_ibuf [dreg:s22], $0x5FFFF;
	_ =	strace $0x90000049  }
0xc1: {  	s29 =	simm.s32 $0x9;
	_ =	strace $0x8000004B  }
0xc2: {  	_ =	swait.ge [sflag:s29], $0x1  }
0xc3: {  	[sflag:s29] =	ssyncadd.s32 $0xFFFFFFFF  }
0xc4: {  	_ =	strace $0x9000004B  }
0xc5: {  	_ =	sfence  }
0xc6: {  	s30 =	sld [smem:$0x0];
	_ =	sdelay $0x2  }
0xc7: {  	s31 =	sshll.u32 s1, $0xD;
	s1 =	sshrl.u32 s1, $0x2  }
0xc8: {  	s4 =	sand.u32 $0x4000, s31;
	s1 =	sadd.s32 s1, s30  }
0xc9: {  	s0 =	sor.u32 s4, s0;
	s1 =	sshll.u32 s1, $0x11  }
0xca: {  	s0 =	sor.u32 s1, s0  }
0xcb: {  	s0 =	sadd.s32 $0x8F2B, s0  }
0xcc: {  	[sflag:s0] =	ssyncadd.remote.s32 $0x1  }
0xcd: {  	_ =	sfence.sel $0xFFFF  }
0xce: {  	[dreg:$0x0] =	wrdreg $0xFFFFFFFF;
	(pc) =	sbr.abs _section_cstart, $3  }
0xcf: {  	[dreg:$0x1] =	wrdreg $0xFFFFFFFF  }
0xd0: {  	_ =	task.clear_ibuf [dreg:s22], $0x2FFFF;
	_ =	strace $0x9FFFFFFF  }
0xd1: {  	(tm) =	ssettm $0x7FFFFFFF  }
tec
execute0_lowered:
.L_overlay_start_1:
0x0: {  	(tag) =	ssettag $0x1  }
0x1: {  	s7 =	rddreg [dreg:$0x0]  }
0x2: {  	s2 =	rddreg [dreg:$0x1]  }
0x3: {  	s0 =	rddreg [dreg:$0x2]  }
0x4: {  	s1 =	srdreg.scid;
	_ =	strace $0x8000004A;
	s4 =	simm.s32 $0x1  }
0x5: {  	s9 =	simm.s32 $0x3;
	s11 =	simm.s32 $0x0;
	s5 =	sshll.u32 s1, $0x4  }
.Ltmp0:
0x6: {  	s1 =	stileid.u32;
	s5 =	sand.u32 $0x10, s5;
	(pc) =	sbr.rel .LBB2_1-.Ltmp0, $4  }
0x7: {  	p0 =	por $0x0, $0x0;
	s3 =	sadd.s32 $0x81C00, s7;
	s6 =	sor.u32 s1, s5  }
0x8: {  	[sflag:s4] =	ssyncpa.u1 $0x0;
	s5 =	simm.s32 $0x2;
	s6 =	sshll.u32 s6, $0x9  }
0x9: {  	s7 =	sadd.s32 $0xC1C00, s7;
	[sflag:s5] =	ssyncpa.u1 $0x0;
	s8 =	sadd.s32 $0x200, s6  }
0xa: {  	vm0 =	vmmov $0xff;
	vm1 =	vcmask $0x3F20;
	[sflag:s9] =	ssyncpa.u1 $0x0;
	s10 =	smov.u32 s6;
	s9 =	simm.s32 $0x0  }
.LBB2_7:
0xb: {  	p1 =	slt.u32 s9, $0x2;
	s11 =	sadd.s32 $0x100, s10  }
0xc: {  	s13 =	smov.u32 s6;
	s9 =	sadd.s32 $0x1, s9;
	p2 =	slt.s32 s11, s8  }
0xd: {  	s13 =	smov.u32 @p2 s11;
	p2 =	sne.s32 s9, $0x4  }
.Ltmp1:
0xe: {  	_ = 	snop;
	(pc) =	sbr.rel @!p2 .LBB2_8-.Ltmp1, $4  }
0xf: {  	s12 =	simm.s32 @!p1 $0x3  }
0x10: {  	_ =	swait.ge @!p1 [sflag:s12], $0x8000  }
0x11: {  	p0 =	por !p0, !p0;
	[sflag:s12] =	ssyncset.done @!p1 $0x0  }
0x12: {  	s11 =	smov.u32 s10;
	s10 =	smov.u32 s13;
	[sflag:s12] =	ssyncadd.s32 @!p1 $0xFFFF8000  }
.LBB2_1:
0x13: {  	p1 =	sgt.u32 s9, $0x1  }
0x14: {  	s12 =	sshll.u32 @!p1 s9, $0x8;
	s13 =	sshrl.u32 @!p1 s10, $0x3  }
0x15: {  	s14 =	sand.u32 @!p1 $0x7, s10;
	s12 =	sxor.u32 @!p1 $0x100, s12;
	s13 =	sadd.s32 @!p1 s2, s13  }
0x16: {  	[tilespmem:s12], [sflag:$0x2] =	stream.linear.gather @!p1 [hbm4b:s13+s14], $0x100, $0x38;
	[tilespmem:$0x10200] =	vst v63  }
0x17: {  	p1 =	seq.s32 s9, $0x0  }
0x18: {  	p2 =	seq.s32 @!p1 s9, $0x3  }
0x19: {  	p1 =	por p1, p2  }
.Ltmp2:
0x1a: {  	_ = 	snop;
	(pc) =	sbr.rel @p1 .LBB2_7-.Ltmp2, $1  }
0x1b: {  	_ =	sdelay $0x3  }
0x1c: {  	s12 =	simm.s32 $0x1  }
0x1d: {  	_ =	swait.ge [sflag:s5], $0x100;
	s12 =	simm.s32 @!p0 $0x0  }
0x1e: {  	[sflag:s5] =	ssyncset.done $0x0;
	s14 =	sshll.u32 s12, $0x8  }
0x1f: {  	[sflag:s5] =	ssyncadd.s32 $0xFFFFFF00;
	s13 =	sadd.s32 $0x0, s14  }
0x20: {  	v0 =	vld.msk [tilespmem:s13+$0x0 ss:$0x1], $0xffff;
	_ =	sdelay $0x4  }
0x21: {  	vm2 =	vgt.s32 v0, $0x0  }
0x22: {  	v0 =	vnsel vm2, $0x0, v0  }
0x23: {  	v0 =	vmin.u32 v0, $0x3FFF  }
0x24: {  	v0 =	vshll.u32 v0, $0x4;
	_ =	sdelay $0x2  }
0x25: {  	s12 =	sshll.u32 s12, $0xF  }
0x26: {  	s12 =	sor.u32 $0x200, s12  }
0x27: {  	[tilespmem:s12], [sflag:$0x1] =	stream.indirect_vreg.gather [hbm:s3], $0x80, v0, vm0, $0x38;
	[tilespmem:$0x10200] =	vst v63  }
0x28: {  	s15 =	sadd.s32 $0x10, s14;
	s13 =	sadd.s32 $0x400, s12  }
0x29: {  	[tilespmem:s13], [sflag:$0x1] =	stream.indirect_vreg.gather [hbm:s3], $0x80, v0, vm1, $0x38;
	[tilespmem:$0x10200] =	vst v63  }
0x2a: {  	s16 =	simm.s32 $0x80;
	v0 =	vld.msk [tilespmem:s15+$0x0 ss:$0x1], $0xffff;
	s15 =	smov.u32 s12  }
.LBB2_3:
0x2b: {  	p1 =	sne.s32 s16, $0x3C0;
	_ =	sdelay $0x4  }
0x2c: {  	vm2 =	vgt.s32 v0, $0x0  }
0x2d: {  	v0 =	vnsel vm2, $0x0, v0  }
0x2e: {  	v0 =	vmin.u32 v0, $0x3FFF  }
0x2f: {  	v0 =	vshll.u32 v0, $0x4;
	_ =	sdelay $0x3  }
.Ltmp3:
0x30: {  	s17 =	sshra.s32 s16, $0x2;
	s15 =	sadd.s32 $0x800, s15;
	(pc) =	sbr.rel @p1 .LBB2_3-.Ltmp3, $4  }
0x31: {  	[tilespmem:s15], [sflag:$0x1] =	stream.indirect_vreg.gather [hbm:s3], $0x80, v0, vm0, $0x38;
	[tilespmem:$0x10200] =	vst v63  }
0x32: {  	s17 =	sadd.s32 s17, s14;
	s18 =	sadd.s32 $0x400, s15  }
0x33: {  	[tilespmem:s18], [sflag:$0x1] =	stream.indirect_vreg.gather [hbm:s3], $0x80, v0, vm1, $0x38;
	[tilespmem:$0x10200] =	vst v63  }
0x34: {  	s16 =	sadd.s32 $0x40, s16;
	v0 =	vld.msk [tilespmem:s17+$0x0 ss:$0x1], $0xffff  }
0x35: {  	_ =	sdelay $0x3  }
0x36: {  	vm2 =	vgt.s32 v0, $0x0  }
0x37: {  	v0 =	vnsel vm2, $0x0, v0  }
0x38: {  	v0 =	vmin.u32 v0, $0x3FFF  }
0x39: {  	v0 =	vshll.u32 v0, $0x4;
	_ =	sdelay $0x3  }
0x3a: {  	s14 =	sadd.s32 $0x800, s15  }
0x3b: {  	[tilespmem:s14], [sflag:$0x1] =	stream.indirect_vreg.gather [hbm:s3], $0x80, v0, vm0, $0x38;
	[tilespmem:$0x10200] =	vst v63  }
0x3c: {  	s14 =	sadd.s32 $0x400, s14  }
0x3d: {  	[tilespmem:s14], [sflag:$0x1] =	stream.indirect_vreg.gather [hbm:s3], $0x80, v0, vm1, $0x38;
	[tilespmem:$0x10200] =	vst v63  }
0x3e: {  	s11 =	sshll.u32 s11, $0x4;
	_ =	swait.ge [sflag:s4], $0x8000  }
0x3f: {  	s11 =	sadd.s32 s11, s7;
	[sflag:s4] =	ssyncset.done $0x0  }
0x40: {  	s15 =	sadd.s32 $0x0, s11;
	s14 =	simm.s32 $0x80;
	[sflag:s4] =	ssyncadd.s32 $0xFFFF8000  }
.LBB2_5:
0x41: {  	[hbm:s15] =	stream.linear.scatter [tilespmem:s12], [sflag:$0x3], $0x400, $0x38;
	[tilespmem:$0x10200] =	vst v63  }
0x42: {  	s15 =	smov.u32 s14;
	s12 =	smov.u32 s13;
	p1 =	sne.s32 s14, $0xF80  }
.Ltmp4:
0x43: {  	s14 =	sadd.s32 $0x80, s14;
	(pc) =	sbr.rel @p1 .LBB2_5-.Ltmp4, $2  }
0x44: {  	_ =	sdelay $0x2  }
0x45: {  	s13 =	sadd.s32 $0x400, s13;
	s15 =	sadd.s32 s15, s11  }
.Ltmp5:
0x46: {  	(pc) =	sbr.rel .LBB2_7-.Ltmp5, $2  }
0x47: {  	_ =	sdelay $0x2  }
0x48: {  	[hbm:s15] =	stream.linear.scatter [tilespmem:s12], [sflag:$0x3], $0x400, $0x38;
	[tilespmem:$0x10200] =	vst v63  }
.LBB2_8:
0x49: {  	_ =	sfence.sel $0x180000  }
0x4a: {  	s2 =	simm.s32 $0x2;
	[bflag:$0x0] =	sbarrier.arrive $0xFFFF  }
0x4b: {  	s30 =	simm.s32 $0x3;
	[sflag:s2] =	ssyncpa.u1 $0x1  }
0x4c: {  	s31 =	simm.s32 $0x1;
	[sflag:s30] =	ssyncpa.u1 $0x1  }
0x4d: {  	[sflag:s31] =	ssyncpa.u1 $0x1  }
0x4e: {  	p0 =	sne.s32 s1, $0x0;
	_ =	strace $0x9000004A  }
0x4f: {  	s0 =	sadd.s32 @!p0 $0x100000, s0;
	[bflag:$0x2] =	sbarrier.arrive $0xFFFF  }
0x50: {  	[sflag:s0] =	ssyncadd.tile.s32 @!p0 $0x1;
	_ =	shalt  }
.Lfunc_end2:
_tile_overlayer_lowered:
.L_overlay_start_2:
0x51: {  	(tag) =	ssettag $0x2  }
0x52: {  	s0 =	rddreg [dreg:$0x0];
	s2 =	stileid.u32  }
0x53: {  	s1 =	rddreg [dreg:$0x1];
	p0 =	sne.s32 s2, $0x0  }
0x54: {  	s3 =	rddreg [dreg:$0x2];
	[bflag:$0x3] =	sbarrier.arrive $0xFFFF;
	s2 =	simm.s32 @!p0 $0x1C01  }
0x55: {  	[timem:s3], [sflag:s2] =	dma.local @!p0 [hbm:s0], s1  }
0x56: {  	s0 =	simm.s32 @!p0 $0x1  }
0x57: {  	_ =	swait.ge @!p0 [sflag:s0], s1  }
0x58: {  	s1 =	ssub.s32 @!p0 $0x0, s1;
	[sflag:s0] =	ssyncset.done @!p0 $0x0  }
0x59: {  	[sflag:s0] =	ssyncadd.s32 @!p0 s1  }
0x5a: {  	[bflag:$0x3] =	sbarrier.arrive $0xFFFF  }
0x5b: {  	_ =	shalt  }

</sc_bundles>
